<compile_context>
chip_gen: v7x
topology: tpu7x:2x2x1
jax: 0.10.2.dev20260603
libtpu: 0.0.44.dev20260713+nightly
codegen_flags: <defaults>
</compile_context>

<pallas_src>
import functools

import jax
import jax.numpy as jnp
from jax import lax
from jax.experimental import pallas as pl
from jax.experimental.pallas import tpu as pltpu
from jax.experimental.pallas import tpu_sc as plsc

E = 64
C = 64
D = 768
H = 768
O = 768
B = 2048
S = E * C


def _gating_body(x_ref, wg_ref, bg_ref, dest_ref, scat_ref, gate_ref,
                 aux_ref):
    x = x_ref[...]
    wg = wg_ref[...]
    logits = lax.dot_general(x, wg, (((1,), (1,)), ((), ())),
                             preferred_element_type=jnp.float32) + bg_ref[...]
    m = jnp.max(logits, axis=1, keepdims=True)
    p = jnp.exp(logits - m)
    probs = p / jnp.sum(p, axis=1, keepdims=True)
    amax = jnp.max(probs, axis=1, keepdims=True)
    iot = lax.broadcasted_iota(jnp.int32, (B, E), 1)
    eidx = jnp.min(jnp.where(probs >= amax, iot, E), axis=1)
    gate = amax[:, 0]
    onehot = (iot == eidx[:, None]).astype(jnp.float32)

    G, g = B // 8, 8
    oh3 = jnp.reshape(onehot, (G, g, E))
    gs = jnp.sum(oh3, axis=1)
    rg = lax.broadcasted_iota(jnp.int32, (G, G), 0)
    cg = lax.broadcasted_iota(jnp.int32, (G, G), 1)
    trilg = (cg < rg).astype(jnp.float32)
    gp = lax.dot_general(trilg, gs, (((1,), (0,)), ((), ())),
                         preferred_element_type=jnp.float32)
    parts = [jnp.zeros((G, 1, E), jnp.float32)]
    acc = oh3[:, 0:1, :]
    for i in range(1, g):
        parts.append(acc)
        acc = acc + oh3[:, i:i + 1, :]
    wp = jnp.concatenate(parts, axis=1)
    pref3 = gp[:, None, :] + wp
    rank = jnp.reshape(jnp.sum(pref3 * oh3, axis=2), (B,)).astype(jnp.int32)

    counts = jnp.sum(onehot, axis=0)

    importance = jnp.sum(probs, axis=0)
    mean_imp = jnp.sum(importance) / E
    imp_loss = jnp.sum((importance - mean_imp) ** 2) / ((E - 1) * E * E)
    usage = counts / B
    rw = jnp.sum(probs * onehot, axis=0) / B
    lb = E * jnp.sum(usage * rw)

    valid = rank < C
    dest_v = eidx * C + rank
    minc = jnp.min(counts)
    iot_e = lax.broadcasted_iota(jnp.int32, (E,), 0)
    estar = jnp.min(jnp.where(counts <= minc, iot_e, E))
    empty_slot = estar * C + minc.astype(jnp.int32)
    dest_ref[0, :] = jnp.where(valid, dest_v, empty_slot)
    scat_ref[0, :] = jnp.where(valid, dest_v, S)
    gate_ref[0, :] = gate
    aux_ref[...] = jnp.reshape(imp_loss + lb, (1, 1))


def _gating(x, Wg, bg):
    return pl.pallas_call(
        _gating_body,
        out_shape=(
            jax.ShapeDtypeStruct((1, B), jnp.int32),
            jax.ShapeDtypeStruct((1, B), jnp.int32),
            jax.ShapeDtypeStruct((1, B), jnp.float32),
            jax.ShapeDtypeStruct((1, 1), jnp.float32),
        ),
    )(x, Wg, bg.reshape(1, E))


EPS = 2


def _ffn_body(xin_ref, w1_ref, b1_ref, w2_ref, b2_ref, ws_ref, y_ref):
    for u in range(EPS):
        xb = xin_ref[pl.ds(u * C, C), :]
        h = lax.dot_general(xb, w1_ref[u], (((1,), (1,)), ((), ())),
                            preferred_element_type=jnp.float32) + b1_ref[u]
        h = 0.5 * h * (1.0 + lax.erf(h * 0.7071067811865476))
        y = lax.dot_general(h, w2_ref[u], (((1,), (1,)), ((), ())),
                            preferred_element_type=jnp.float32) + b2_ref[u]
        ws = jnp.reshape(ws_ref[u, 0, :], (C, 1))
        y_ref[pl.ds(u * C, C), :] = y * ws


def _ffn(xin, W1, b1, W2, b2, wslot):
    return pl.pallas_call(
        _ffn_body,
        grid=(E // EPS,),
        in_specs=[
            pl.BlockSpec((EPS * C, D), lambda i: (i, 0)),
            pl.BlockSpec((EPS, H, D), lambda i: (i, 0, 0)),
            pl.BlockSpec((EPS, 1, H), lambda i: (i, 0, 0)),
            pl.BlockSpec((EPS, O, H), lambda i: (i, 0, 0)),
            pl.BlockSpec((EPS, 1, O), lambda i: (i, 0, 0)),
            pl.BlockSpec((EPS, 1, C), lambda i: (i, 0, 0)),
        ],
        out_specs=pl.BlockSpec((EPS * C, O), lambda i: (i, 0)),
        out_shape=jax.ShapeDtypeStruct((S, O), jnp.float32),
        compiler_params=pltpu.CompilerParams(
            dimension_semantics=("arbitrary",)),
    )(xin, W1, b1.reshape(E, 1, H), W2, b2.reshape(E, 1, O),
      wslot.reshape(E, 1, C))


def _row_gather(table, idx, n_rows, d):
    mesh = plsc.VectorSubcoreMesh(core_axis_name="c", subcore_axis_name="s")
    nc = mesh.num_cores
    nw = nc * mesh.num_subcores
    per = n_rows // nw

    @functools.partial(
        pl.kernel,
        out_type=jax.ShapeDtypeStruct((n_rows, d), jnp.float32),
        mesh=mesh,
        scratch_types=[
            pltpu.VMEM((per,), jnp.int32),
            pltpu.VMEM((per, d), jnp.float32),
            pltpu.SemaphoreType.DMA,
        ],
    )
    def k(table_hbm, idx_hbm, out_hbm, idx_v, rows_v, sem):
        wid = lax.axis_index("s") * nc + lax.axis_index("c")
        base = wid * per
        pltpu.sync_copy(idx_hbm.at[pl.ds(base, per)], idx_v)
        pltpu.async_copy(table_hbm.at[idx_v], rows_v, sem).wait()
        pltpu.sync_copy(rows_v, out_hbm.at[pl.ds(base, per)])

    return k(table, idx)


def kernel(x, Wg, bg, W1, b1, W2, b2):
    dest2, scat2, gate2, aux = _gating(x, Wg, bg)
    scat_idx = scat2[0]
    src = (jnp.arange(S, dtype=jnp.int32) % B).at[scat_idx].set(
        jnp.arange(B, dtype=jnp.int32), mode="drop")
    wslot = jnp.zeros((S,), jnp.float32).at[scat_idx].set(
        gate2[0], mode="drop")

    xin = _row_gather(x, src, S, D)
    y = _ffn(xin, W1, b1, W2, b2, wslot)
    out = _row_gather(y, dest2[0], B, O)
    return out, aux[0, 0]

# --- scband reference (transcript-rebuilt; emitter-appended) ---
"""Pipeline reference for scband-mo-e-58548994179550 (READ-ONLY COPY).

The authoritative reference and input builder live on the scoring server;
editing this copy changes nothing except your own understanding.
"""

import jax, jax.numpy as jnp
import numpy as np

INPUT_DIM = 768
NUM_EXPERTS = 64
TOP_K = 1
CAPACITY = 64
HIDDEN_DIM = 768
OUTPUT_DIM = 768
BATCH = 2048


def setup_inputs(seed: int = 0) -> dict:
    key = jax.random.key(seed)
    ks = jax.random.split(key, 8)
    x = jax.random.normal(ks[0], (BATCH, INPUT_DIM), dtype=jnp.float32)
    Wg = jax.random.normal(ks[1], (NUM_EXPERTS, INPUT_DIM), dtype=jnp.float32) * 0.02
    bg = jnp.zeros((NUM_EXPERTS,), dtype=jnp.float32)
    W1 = jax.random.normal(ks[2], (NUM_EXPERTS, HIDDEN_DIM, INPUT_DIM), dtype=jnp.float32) * 0.02
    b1 = jnp.zeros((NUM_EXPERTS, HIDDEN_DIM), dtype=jnp.float32)
    W2 = jax.random.normal(ks[3], (NUM_EXPERTS, OUTPUT_DIM, HIDDEN_DIM), dtype=jnp.float32) * 0.02
    b2 = jnp.zeros((NUM_EXPERTS, OUTPUT_DIM), dtype=jnp.float32)
    return {"x": x, "Wg": Wg, "bg": bg, "W1": W1, "b1": b1, "W2": W2, "b2": b2}


def reference(x, Wg, bg, W1, b1, W2, b2):
    B = x.shape[0]
    logits = x @ Wg.T + bg
    probs = jax.nn.softmax(logits, axis=-1)
    topk_probs, topk_indices = jax.lax.top_k(probs, TOP_K)
    # auxiliary loss (module defaults to training mode)
    importance = probs.sum(axis=0)
    importance_loss = jnp.var(importance, ddof=1) / (NUM_EXPERTS ** 2)
    mask = jnp.zeros((B, NUM_EXPERTS), dtype=probs.dtype).at[
        jnp.arange(B)[:, None], topk_indices
    ].set(1.0)
    routing_probs = probs * mask
    expert_usage = mask.mean(axis=0)
    routing_weights = routing_probs.mean(axis=0)
    load_balance_loss = NUM_EXPERTS * jnp.sum(expert_usage * routing_weights)
    aux_loss = importance_loss + load_balance_loss

    flat_indices = topk_indices.reshape(-1)
    flat_probs = topk_probs.reshape(-1)
    sample_indices = jnp.broadcast_to(jnp.arange(B)[:, None], (B, TOP_K)).reshape(-1).astype(jnp.int32)
    outputs = jnp.zeros((B, OUTPUT_DIM), dtype=x.dtype)
    C = CAPACITY
    for e in range(NUM_EXPERTS):
        m = flat_indices == e
        rank = jnp.cumsum(m) - 1
        valid = m & (rank < C)
        slot = jnp.where(valid, rank, C)  # overflow / non-member tokens go to dump slot C
        buf_tok = jnp.zeros((C + 1,), dtype=jnp.int32).at[slot].set(sample_indices)
        buf_w = jnp.zeros((C + 1,), dtype=x.dtype).at[slot].set(flat_probs)
        count = jnp.minimum(jnp.sum(m.astype(jnp.int32)), C)
        slot_valid = (jnp.arange(C) < count).astype(x.dtype)
        tok = buf_tok[:C]
        w = buf_w[:C] * slot_valid
        xin = x[tok]
        h = jax.nn.gelu(xin @ W1[e].T + b1[e], approximate=False)
        out_e = h @ W2[e].T + b2[e]
        outputs = outputs.at[tok].add(out_e * w[:, None])
    return outputs, aux_loss

if __name__ == "__main__":
    import jax
    _d = setup_inputs()
    print(jax.jit(kernel)(*tuple(_d.values())))

</pallas_src>

<mosaic_0001>
#map = affine_map<(d0, d1) -> (0, 0)>
#map1 = affine_map<(d0, d1) -> (0)>
module attributes {stable_mosaic.version = 14 : i64} {
  func.func @k(%arg0: i32, %arg1: i32, %arg2: memref<4096x768xf32, #tpu.memory_space<hbm>>, %arg3: memref<2048xi32, #tpu.memory_space<hbm>>, %arg4: memref<2048x768xf32, #tpu.memory_space<hbm>>, %arg5: memref<64xi32, #tpu.memory_space<vmem>>, %arg6: memref<64x768xf32, #tpu.memory_space<vmem>>, %arg7: memref<!tpu.dma_semaphore, #tpu.memory_space<semaphore_mem>>) attributes {dimension_semantics = [#tpu.dimension_semantics<core_parallel>, #tpu.dimension_semantics<subcore_parallel>], iteration_bounds = array<i64: 2, 16>, scalar_prefetch = 0 : i64, scratch_operands = 3 : i64, tpu.core_type = #tpu.core_type<sc_vector_subcore>, window_params = [{transform_indices = #map}, {transform_indices = #map1}, {transform_indices = #map}]} {
    %mul3A = arith.constant 2 : i32
    %mul3A_0 = arith.muli %arg1, %mul3A : i32
    %add3A = arith.addi %mul3A_0, %arg0 : i32
    %mul3A_1 = arith.constant 64 : i32
    %mul3A_2 = arith.muli %add3A, %mul3A_1 : i32
    "tpu.region"() ({
      %run_scoped3A = tpu.sem_alloc : memref<!tpu.dma_semaphore, #tpu.memory_space<semaphore_mem>>
      %dma_start3A_7 = tpu.memref_slice %arg3[%mul3A_2] : memref<2048xi32, #tpu.memory_space<hbm>> -> memref<64xi32, #tpu.memory_space<hbm>>
      %dma_start3A_8 = tpu.memref_slice %arg3[%mul3A_2] : memref<2048xi32, #tpu.memory_space<hbm>> -> memref<64xi32, #tpu.memory_space<hbm>>
      tpu.enqueue_dma source(%dma_start3A_8 : memref<64xi32, #tpu.memory_space<hbm>>) target(%arg5 : memref<64xi32, #tpu.memory_space<vmem>>) target_semaphore(%run_scoped3A : memref<!tpu.dma_semaphore, #tpu.memory_space<semaphore_mem>>)
      %dma_wait3A_9 = tpu.memref_slice %arg3[%mul3A_2] : memref<2048xi32, #tpu.memory_space<hbm>> -> memref<64xi32, #tpu.memory_space<hbm>>
      %dma_wait3A_10 = tpu.memref_slice %arg3[%mul3A_2] : memref<2048xi32, #tpu.memory_space<hbm>> -> memref<64xi32, #tpu.memory_space<hbm>>
      tpu.wait_dma2 semaphore(%run_scoped3A : memref<!tpu.dma_semaphore, #tpu.memory_space<semaphore_mem>>) src(%dma_wait3A_10 : memref<64xi32, #tpu.memory_space<hbm>>) dst(%arg5 : memref<64xi32, #tpu.memory_space<vmem>>)
      tpu.yield
    }) : () -> ()
    %dma_start3A = arith.constant 0 : i32
    %dma_start3A_3 = arith.constant 0 : i32
    %dma_start3A_4 = tpu.memref_slice %arg2[%dma_start3A, %dma_start3A_3] : memref<4096x768xf32, #tpu.memory_space<hbm>> -> memref<4096x768xf32, #tpu.memory_space<hbm>>
    tpu.enqueue_indirect_dma source(%dma_start3A_4 : memref<4096x768xf32, #tpu.memory_space<hbm>>) target(%arg6 : memref<64x768xf32, #tpu.memory_space<vmem>>) offsets(%arg5 : memref<64xi32, #tpu.memory_space<vmem>>) semaphore(%arg7 : memref<!tpu.dma_semaphore, #tpu.memory_space<semaphore_mem>>)
    %dma_wait3A = arith.constant 0 : i32
    %dma_wait3A_5 = arith.constant 0 : i32
    %dma_wait3A_6 = tpu.memref_slice %arg2[%dma_wait3A, %dma_wait3A_5] : memref<4096x768xf32, #tpu.memory_space<hbm>> -> memref<4096x768xf32, #tpu.memory_space<hbm>>
    tpu.wait_indirect_dma semaphore(%arg7 : memref<!tpu.dma_semaphore, #tpu.memory_space<semaphore_mem>>) src(%dma_wait3A_6 : memref<4096x768xf32, #tpu.memory_space<hbm>>) dst(%arg6 : memref<64x768xf32, #tpu.memory_space<vmem>>)
    "tpu.region"() ({
      %run_scoped3A = tpu.sem_alloc : memref<!tpu.dma_semaphore, #tpu.memory_space<semaphore_mem>>
      %dma_start3A_7 = arith.constant 0 : i32
      %dma_start3A_8 = tpu.memref_slice %arg4[%mul3A_2, %dma_start3A_7] : memref<2048x768xf32, #tpu.memory_space<hbm>> -> memref<64x768xf32, #tpu.memory_space<hbm>>
      %dma_start3A_9 = arith.constant 0 : i32
      %dma_start3A_10 = tpu.memref_slice %arg4[%mul3A_2, %dma_start3A_9] : memref<2048x768xf32, #tpu.memory_space<hbm>> -> memref<64x768xf32, #tpu.memory_space<hbm>>
      tpu.enqueue_dma source(%arg6 : memref<64x768xf32, #tpu.memory_space<vmem>>) target(%dma_start3A_10 : memref<64x768xf32, #tpu.memory_space<hbm>>) target_semaphore(%run_scoped3A : memref<!tpu.dma_semaphore, #tpu.memory_space<semaphore_mem>>)
      %dma_wait3A_11 = arith.constant 0 : i32
      %dma_wait3A_12 = tpu.memref_slice %arg4[%mul3A_2, %dma_wait3A_11] : memref<2048x768xf32, #tpu.memory_space<hbm>> -> memref<64x768xf32, #tpu.memory_space<hbm>>
      %dma_wait3A_13 = arith.constant 0 : i32
      %dma_wait3A_14 = tpu.memref_slice %arg4[%mul3A_2, %dma_wait3A_13] : memref<2048x768xf32, #tpu.memory_space<hbm>> -> memref<64x768xf32, #tpu.memory_space<hbm>>
      tpu.wait_dma2 semaphore(%run_scoped3A : memref<!tpu.dma_semaphore, #tpu.memory_space<semaphore_mem>>) src(%arg6 : memref<64x768xf32, #tpu.memory_space<vmem>>) dst(%dma_wait3A_14 : memref<64x768xf32, #tpu.memory_space<hbm>>)
      tpu.yield
    }) : () -> ()
    return
  }
}

#map = affine_map<(d0, d1) -> (0, 0)>
#map1 = affine_map<(d0, d1) -> (0)>
module attributes {stable_mosaic.version = 14 : i64} {
  func.func @k(%arg0: i32, %arg1: i32, %arg2: memref<2048x768xf32, #tpu.memory_space<hbm>>, %arg3: memref<4096xi32, #tpu.memory_space<hbm>>, %arg4: memref<4096x768xf32, #tpu.memory_space<hbm>>, %arg5: memref<128xi32, #tpu.memory_space<vmem>>, %arg6: memref<128x768xf32, #tpu.memory_space<vmem>>, %arg7: memref<!tpu.dma_semaphore, #tpu.memory_space<semaphore_mem>>) attributes {dimension_semantics = [#tpu.dimension_semantics<core_parallel>, #tpu.dimension_semantics<subcore_parallel>], iteration_bounds = array<i64: 2, 16>, scalar_prefetch = 0 : i64, scratch_operands = 3 : i64, tpu.core_type = #tpu.core_type<sc_vector_subcore>, window_params = [{transform_indices = #map}, {transform_indices = #map1}, {transform_indices = #map}]} {
    %mul3A = arith.constant 2 : i32
    %mul3A_0 = arith.muli %arg1, %mul3A : i32
    %add3A = arith.addi %mul3A_0, %arg0 : i32
    %mul3A_1 = arith.constant 128 : i32
    %mul3A_2 = arith.muli %add3A, %mul3A_1 : i32
    "tpu.region"() ({
      %run_scoped3A = tpu.sem_alloc : memref<!tpu.dma_semaphore, #tpu.memory_space<semaphore_mem>>
      %dma_start3A_7 = tpu.memref_slice %arg3[%mul3A_2] : memref<4096xi32, #tpu.memory_space<hbm>> -> memref<128xi32, #tpu.memory_space<hbm>>
      %dma_start3A_8 = tpu.memref_slice %arg3[%mul3A_2] : memref<4096xi32, #tpu.memory_space<hbm>> -> memref<128xi32, #tpu.memory_space<hbm>>
      tpu.enqueue_dma source(%dma_start3A_8 : memref<128xi32, #tpu.memory_space<hbm>>) target(%arg5 : memref<128xi32, #tpu.memory_space<vmem>>) target_semaphore(%run_scoped3A : memref<!tpu.dma_semaphore, #tpu.memory_space<semaphore_mem>>)
      %dma_wait3A_9 = tpu.memref_slice %arg3[%mul3A_2] : memref<4096xi32, #tpu.memory_space<hbm>> -> memref<128xi32, #tpu.memory_space<hbm>>
      %dma_wait3A_10 = tpu.memref_slice %arg3[%mul3A_2] : memref<4096xi32, #tpu.memory_space<hbm>> -> memref<128xi32, #tpu.memory_space<hbm>>
      tpu.wait_dma2 semaphore(%run_scoped3A : memref<!tpu.dma_semaphore, #tpu.memory_space<semaphore_mem>>) src(%dma_wait3A_10 : memref<128xi32, #tpu.memory_space<hbm>>) dst(%arg5 : memref<128xi32, #tpu.memory_space<vmem>>)
      tpu.yield
    }) : () -> ()
    %dma_start3A = arith.constant 0 : i32
    %dma_start3A_3 = arith.constant 0 : i32
    %dma_start3A_4 = tpu.memref_slice %arg2[%dma_start3A, %dma_start3A_3] : memref<2048x768xf32, #tpu.memory_space<hbm>> -> memref<2048x768xf32, #tpu.memory_space<hbm>>
    tpu.enqueue_indirect_dma source(%dma_start3A_4 : memref<2048x768xf32, #tpu.memory_space<hbm>>) target(%arg6 : memref<128x768xf32, #tpu.memory_space<vmem>>) offsets(%arg5 : memref<128xi32, #tpu.memory_space<vmem>>) semaphore(%arg7 : memref<!tpu.dma_semaphore, #tpu.memory_space<semaphore_mem>>)
    %dma_wait3A = arith.constant 0 : i32
    %dma_wait3A_5 = arith.constant 0 : i32
    %dma_wait3A_6 = tpu.memref_slice %arg2[%dma_wait3A, %dma_wait3A_5] : memref<2048x768xf32, #tpu.memory_space<hbm>> -> memref<2048x768xf32, #tpu.memory_space<hbm>>
    tpu.wait_indirect_dma semaphore(%arg7 : memref<!tpu.dma_semaphore, #tpu.memory_space<semaphore_mem>>) src(%dma_wait3A_6 : memref<2048x768xf32, #tpu.memory_space<hbm>>) dst(%arg6 : memref<128x768xf32, #tpu.memory_space<vmem>>)
    "tpu.region"() ({
      %run_scoped3A = tpu.sem_alloc : memref<!tpu.dma_semaphore, #tpu.memory_space<semaphore_mem>>
      %dma_start3A_7 = arith.constant 0 : i32
      %dma_start3A_8 = tpu.memref_slice %arg4[%mul3A_2, %dma_start3A_7] : memref<4096x768xf32, #tpu.memory_space<hbm>> -> memref<128x768xf32, #tpu.memory_space<hbm>>
      %dma_start3A_9 = arith.constant 0 : i32
      %dma_start3A_10 = tpu.memref_slice %arg4[%mul3A_2, %dma_start3A_9] : memref<4096x768xf32, #tpu.memory_space<hbm>> -> memref<128x768xf32, #tpu.memory_space<hbm>>
      tpu.enqueue_dma source(%arg6 : memref<128x768xf32, #tpu.memory_space<vmem>>) target(%dma_start3A_10 : memref<128x768xf32, #tpu.memory_space<hbm>>) target_semaphore(%run_scoped3A : memref<!tpu.dma_semaphore, #tpu.memory_space<semaphore_mem>>)
      %dma_wait3A_11 = arith.constant 0 : i32
      %dma_wait3A_12 = tpu.memref_slice %arg4[%mul3A_2, %dma_wait3A_11] : memref<4096x768xf32, #tpu.memory_space<hbm>> -> memref<128x768xf32, #tpu.memory_space<hbm>>
      %dma_wait3A_13 = arith.constant 0 : i32
      %dma_wait3A_14 = tpu.memref_slice %arg4[%mul3A_2, %dma_wait3A_13] : memref<4096x768xf32, #tpu.memory_space<hbm>> -> memref<128x768xf32, #tpu.memory_space<hbm>>
      tpu.wait_dma2 semaphore(%run_scoped3A : memref<!tpu.dma_semaphore, #tpu.memory_space<semaphore_mem>>) src(%arg6 : memref<128x768xf32, #tpu.memory_space<vmem>>) dst(%dma_wait3A_14 : memref<128x768xf32, #tpu.memory_space<hbm>>)
      tpu.yield
    }) : () -> ()
    return
  }
}

module attributes {stable_mosaic.version = 14 : i64} {
  func.func @_gating_body(%arg0: memref<2048x768xf32, #tpu.memory_space<vmem>>, %arg1: memref<64x768xf32, #tpu.memory_space<vmem>>, %arg2: memref<1x64xf32, #tpu.memory_space<vmem>>, %arg3: memref<1x2048xi32, #tpu.memory_space<vmem>>, %arg4: memref<1x2048xi32, #tpu.memory_space<vmem>>, %arg5: memref<1x2048xf32, #tpu.memory_space<vmem>>, %arg6: memref<1x1xf32, #tpu.memory_space<vmem>>) attributes {dimension_semantics = [], scalar_prefetch = 0 : i64, scratch_operands = 0 : i64, tpu.core_type = #tpu.core_type<tc>} {
    %get3A = arith.constant 0 : index
    %get3A_0 = arith.constant 0 : index
    %get3A_1 = vector.load %arg0[%get3A, %get3A_0] : memref<2048x768xf32, #tpu.memory_space<vmem>>, vector<2048x768xf32>
    %get3A_2 = arith.constant 0 : index
    %get3A_3 = arith.constant 0 : index
    %get3A_4 = vector.load %arg1[%get3A_2, %get3A_3] : memref<64x768xf32, #tpu.memory_space<vmem>>, vector<64x768xf32>
    %dot_general3A = arith.constant dense<0.000000e+00> : vector<2048x64xf32>
    %dot_general3A_5 = tpu.matmul %get3A_1, %get3A_4, %dot_general3A {dimension_numbers = #tpu.dot_dimension_numbers<[1], [1], [0], [0], [0, 0, 1, 0], [], []>, transpose_lhs_hint = false} : vector<2048x768xf32>, vector<64x768xf32>, vector<2048x64xf32> -> vector<2048x64xf32>
    %get3A_6 = arith.constant 0 : index
    %get3A_7 = arith.constant 0 : index
    %get3A_8 = vector.load %arg2[%get3A_6, %get3A_7] : memref<1x64xf32, #tpu.memory_space<vmem>>, vector<1x64xf32>
    %add3A = vector.broadcast %get3A_8 : vector<1x64xf32> to vector<2048x64xf32>
    %add3A_9 = arith.addf %dot_general3A_5, %add3A : vector<2048x64xf32>
    %reduce_max3A = arith.constant dense<0xFF800000> : vector<2048xf32>
    %reduce_max3A_10 = vector.multi_reduction <maximumf>, %add3A_9, %reduce_max3A [1] : vector<2048x64xf32> to vector<2048xf32>
    %broadcast_in_dim3A = vector.shape_cast %reduce_max3A_10 : vector<2048xf32> to vector<2048x1xf32>
    %sub3A = vector.broadcast %broadcast_in_dim3A : vector<2048x1xf32> to vector<2048x64xf32>
    %sub3A_11 = arith.subf %add3A_9, %sub3A : vector<2048x64xf32>
    %exp3A = math.exp %sub3A_11 : vector<2048x64xf32>
    %reduce_sum3A = arith.constant dense<0.000000e+00> : vector<2048xf32>
    %reduce_sum3A_12 = vector.multi_reduction <add>, %exp3A, %reduce_sum3A [1] : vector<2048x64xf32> to vector<2048xf32>
    %broadcast_in_dim3A_13 = vector.shape_cast %reduce_sum3A_12 : vector<2048xf32> to vector<2048x1xf32>
    %div3A = vector.broadcast %broadcast_in_dim3A_13 : vector<2048x1xf32> to vector<2048x64xf32>
    %div3A_14 = arith.divf %exp3A, %div3A : vector<2048x64xf32>
    %reduce_max3A_15 = arith.constant dense<0xFF800000> : vector<2048xf32>
    %reduce_max3A_16 = vector.multi_reduction <maximumf>, %div3A_14, %reduce_max3A_15 [1] : vector<2048x64xf32> to vector<2048xf32>
    %broadcast_in_dim3A_17 = vector.shape_cast %reduce_max3A_16 : vector<2048xf32> to vector<2048x1xf32>
    %iota3A = tpu.iota {dimensions = array<i32: 1>} : vector<2048x64xi32>
    %ge3A = vector.broadcast %broadcast_in_dim3A_17 : vector<2048x1xf32> to vector<2048x64xf32>
    %ge3A_18 = arith.cmpf oge, %div3A_14, %ge3A : vector<2048x64xf32>
    %jit3A = arith.constant 64 : i32
    %broadcast_in_dim3A_19 = vector.broadcast %jit3A : i32 to vector<2048x64xi32>
    %select_n3A = arith.select %ge3A_18, %iota3A, %broadcast_in_dim3A_19 : vector<2048x64xi1>, vector<2048x64xi32>
    %reduce_min3A = arith.constant dense<2147483647> : vector<2048xi32>
    %reduce_min3A_20 = vector.multi_reduction <minsi>, %select_n3A, %reduce_min3A [1] : vector<2048x64xi32> to vector<2048xi32>
    %squeeze3A = vector.shape_cast %broadcast_in_dim3A_17 : vector<2048x1xf32> to vector<2048xf32>
    %broadcast_in_dim3A_21 = vector.shape_cast %reduce_min3A_20 : vector<2048xi32> to vector<2048x1xi32>
    %eq3A = vector.broadcast %broadcast_in_dim3A_21 : vector<2048x1xi32> to vector<2048x64xi32>
    %eq3A_22 = arith.cmpi eq, %iota3A, %eq3A : vector<2048x64xi32>
    %convert_element_type3A = arith.extui %eq3A_22 : vector<2048x64xi1> to vector<2048x64xi32>
    %convert_element_type3A_23 = arith.sitofp %convert_element_type3A : vector<2048x64xi32> to vector<2048x64xf32>
    %reshape3A = vector.shape_cast %convert_element_type3A_23 : vector<2048x64xf32> to vector<256x8x64xf32>
    %reduce_sum3A_24 = arith.constant dense<0.000000e+00> : vector<256x64xf32>
    %reduce_sum3A_25 = vector.multi_reduction <add>, %reshape3A, %reduce_sum3A_24 [1] : vector<256x8x64xf32> to vector<256x64xf32>
    %iota3A_26 = tpu.iota {dimensions = array<i32: 0>} : vector<256x256xi32>
    %iota3A_27 = tpu.iota {dimensions = array<i32: 1>} : vector<256x256xi32>
    %lt3A = arith.cmpi slt, %iota3A_27, %iota3A_26 : vector<256x256xi32>
    %convert_element_type3A_28 = arith.extui %lt3A : vector<256x256xi1> to vector<256x256xi32>
    %convert_element_type3A_29 = arith.sitofp %convert_element_type3A_28 : vector<256x256xi32> to vector<256x256xf32>
    %dot_general3A_30 = arith.constant dense<0.000000e+00> : vector<256x64xf32>
    %dot_general3A_31 = tpu.matmul %convert_element_type3A_29, %reduce_sum3A_25, %dot_general3A_30 {dimension_numbers = #tpu.dot_dimension_numbers<[1], [0], [0], [1], [0, 0, 1, 1], [], []>, transpose_lhs_hint = false} : vector<256x256xf32>, vector<256x64xf32>, vector<256x64xf32> -> vector<256x64xf32>
    %broadcast_in_dim3A_32 = arith.constant 0.000000e+00 : f32
    %broadcast_in_dim3A_33 = vector.broadcast %broadcast_in_dim3A_32 : f32 to vector<256x1x64xf32>
    %slice3A = vector.extract_strided_slice %reshape3A {offsets = [0, 0, 0], sizes = [256, 1, 64], strides = [1, 1, 1]} : vector<256x8x64xf32> to vector<256x1x64xf32>
    %slice3A_34 = vector.extract_strided_slice %reshape3A {offsets = [0, 1, 0], sizes = [256, 1, 64], strides = [1, 1, 1]} : vector<256x8x64xf32> to vector<256x1x64xf32>
    %add3A_35 = arith.addf %slice3A, %slice3A_34 : vector<256x1x64xf32>
    %slice3A_36 = vector.extract_strided_slice %reshape3A {offsets = [0, 2, 0], sizes = [256, 1, 64], strides = [1, 1, 1]} : vector<256x8x64xf32> to vector<256x1x64xf32>
    %add3A_37 = arith.addf %add3A_35, %slice3A_36 : vector<256x1x64xf32>
    %slice3A_38 = vector.extract_strided_slice %reshape3A {offsets = [0, 3, 0], sizes = [256, 1, 64], strides = [1, 1, 1]} : vector<256x8x64xf32> to vector<256x1x64xf32>
    %add3A_39 = arith.addf %add3A_37, %slice3A_38 : vector<256x1x64xf32>
    %slice3A_40 = vector.extract_strided_slice %reshape3A {offsets = [0, 4, 0], sizes = [256, 1, 64], strides = [1, 1, 1]} : vector<256x8x64xf32> to vector<256x1x64xf32>
    %add3A_41 = arith.addf %add3A_39, %slice3A_40 : vector<256x1x64xf32>
    %slice3A_42 = vector.extract_strided_slice %reshape3A {offsets = [0, 5, 0], sizes = [256, 1, 64], strides = [1, 1, 1]} : vector<256x8x64xf32> to vector<256x1x64xf32>
    %add3A_43 = arith.addf %add3A_41, %slice3A_42 : vector<256x1x64xf32>
    %slice3A_44 = vector.extract_strided_slice %reshape3A {offsets = [0, 6, 0], sizes = [256, 1, 64], strides = [1, 1, 1]} : vector<256x8x64xf32> to vector<256x1x64xf32>
    %add3A_45 = arith.addf %add3A_43, %slice3A_44 : vector<256x1x64xf32>
    %concatenate3A = tpu.concatenate %broadcast_in_dim3A_33, %slice3A, %add3A_35, %add3A_37, %add3A_39, %add3A_41, %add3A_43, %add3A_45 in 1 : vector<256x1x64xf32>, vector<256x1x64xf32>, vector<256x1x64xf32>, vector<256x1x64xf32>, vector<256x1x64xf32>, vector<256x1x64xf32>, vector<256x1x64xf32>, vector<256x1x64xf32> -> vector<256x8x64xf32>
    %broadcast_in_dim3A_46 = vector.shape_cast %dot_general3A_31 : vector<256x64xf32> to vector<256x1x64xf32>
    %add3A_47 = vector.broadcast %broadcast_in_dim3A_46 : vector<256x1x64xf32> to vector<256x8x64xf32>
    %add3A_48 = arith.addf %add3A_47, %concatenate3A : vector<256x8x64xf32>
    %mul3A = arith.mulf %add3A_48, %reshape3A : vector<256x8x64xf32>
    %reduce_sum3A_49 = arith.constant dense<0.000000e+00> : vector<256x8xf32>
    %reduce_sum3A_50 = vector.multi_reduction <add>, %mul3A, %reduce_sum3A_49 [2] : vector<256x8x64xf32> to vector<256x8xf32>
    %reshape3A_51 = vector.shape_cast %reduce_sum3A_50 : vector<256x8xf32> to vector<2048xf32>
    %convert_element_type3A_52 = arith.fptosi %reshape3A_51 : vector<2048xf32> to vector<2048xi32>
    %reduce_sum3A_53 = arith.constant dense<0.000000e+00> : vector<64xf32>
    %reduce_sum3A_54 = vector.multi_reduction <add>, %convert_element_type3A_23, %reduce_sum3A_53 [0] : vector<2048x64xf32> to vector<64xf32>
    %reduce_sum3A_55 = arith.constant dense<0.000000e+00> : vector<64xf32>
    %reduce_sum3A_56 = vector.multi_reduction <add>, %div3A_14, %reduce_sum3A_55 [0] : vector<2048x64xf32> to vector<64xf32>
    %reduce_sum3A_57 = vector.shape_cast %reduce_sum3A_56 : vector<64xf32> to vector<1x64xf32>
    %reduce_sum3A_58 = arith.constant dense<0.000000e+00> : vector<1xf32>
    %reduce_sum3A_59 = vector.multi_reduction <add>, %reduce_sum3A_57, %reduce_sum3A_58 [1] : vector<1x64xf32> to vector<1xf32>
    %reduce_sum3A_60 = vector.shape_cast %reduce_sum3A_59 : vector<1xf32> to vector<1x1xf32>
    %reduce_sum3A_61 = vector.extract %reduce_sum3A_60[0, 0] : f32 from vector<1x1xf32>
    %div3A_62 = arith.constant 6.400000e+01 : f32
    %div3A_63 = arith.divf %reduce_sum3A_61, %div3A_62 : f32
    %sub3A_64 = vector.broadcast %div3A_63 : f32 to vector<64xf32>
    %sub3A_65 = arith.subf %reduce_sum3A_56, %sub3A_64 : vector<64xf32>
    %integer_pow3A = arith.mulf %sub3A_65, %sub3A_65 : vector<64xf32>
    %reduce_sum3A_66 = vector.shape_cast %integer_pow3A : vector<64xf32> to vector<1x64xf32>
    %reduce_sum3A_67 = arith.constant dense<0.000000e+00> : vector<1xf32>
    %reduce_sum3A_68 = vector.multi_reduction <add>, %reduce_sum3A_66, %reduce_sum3A_67 [1] : vector<1x64xf32> to vector<1xf32>
    %reduce_sum3A_69 = vector.shape_cast %reduce_sum3A_68 : vector<1xf32> to vector<1x1xf32>
    %reduce_sum3A_70 = vector.extract %reduce_sum3A_69[0, 0] : f32 from vector<1x1xf32>
    %div3A_71 = arith.constant 2.580480e+05 : f32
    %div3A_72 = arith.divf %reduce_sum3A_70, %div3A_71 : f32
    %div3A_73 = arith.constant 2.048000e+03 : f32
    %div3A_74 = vector.broadcast %div3A_73 : f32 to vector<64xf32>
    %div3A_75 = arith.divf %reduce_sum3A_54, %div3A_74 : vector<64xf32>
    %mul3A_76 = arith.mulf %div3A_14, %convert_element_type3A_23 : vector<2048x64xf32>
    %reduce_sum3A_77 = arith.constant dense<0.000000e+00> : vector<64xf32>
    %reduce_sum3A_78 = vector.multi_reduction <add>, %mul3A_76, %reduce_sum3A_77 [0] : vector<2048x64xf32> to vector<64xf32>
    %div3A_79 = arith.constant 2.048000e+03 : f32
    %div3A_80 = vector.broadcast %div3A_79 : f32 to vector<64xf32>
    %div3A_81 = arith.divf %reduce_sum3A_78, %div3A_80 : vector<64xf32>
    %mul3A_82 = arith.mulf %div3A_75, %div3A_81 : vector<64xf32>
    %reduce_sum3A_83 = vector.shape_cast %mul3A_82 : vector<64xf32> to vector<1x64xf32>
    %reduce_sum3A_84 = arith.constant dense<0.000000e+00> : vector<1xf32>
    %reduce_sum3A_85 = vector.multi_reduction <add>, %reduce_sum3A_83, %reduce_sum3A_84 [1] : vector<1x64xf32> to vector<1xf32>
    %reduce_sum3A_86 = vector.shape_cast %reduce_sum3A_85 : vector<1xf32> to vector<1x1xf32>
    %reduce_sum3A_87 = vector.extract %reduce_sum3A_86[0, 0] : f32 from vector<1x1xf32>
    %mul3A_88 = arith.constant 6.400000e+01 : f32
    %mul3A_89 = arith.mulf %mul3A_88, %reduce_sum3A_87 : f32
    %lt3A_90 = arith.constant 64 : i32
    %lt3A_91 = vector.broadcast %lt3A_90 : i32 to vector<2048xi32>
    %lt3A_92 = arith.cmpi slt, %convert_element_type3A_52, %lt3A_91 : vector<2048xi32>
    %mul3A_93 = arith.constant 64 : i32
    %mul3A_94 = vector.broadcast %mul3A_93 : i32 to vector<2048xi32>
    %mul3A_95 = arith.muli %reduce_min3A_20, %mul3A_94 : vector<2048xi32>
    %add3A_96 = arith.addi %mul3A_95, %convert_element_type3A_52 : vector<2048xi32>
    %reduce_min3A_97 = vector.shape_cast %reduce_sum3A_54 : vector<64xf32> to vector<1x64xf32>
    %reduce_min3A_98 = arith.constant dense<0x7F800000> : vector<1xf32>
    %reduce_min3A_99 = vector.multi_reduction <minimumf>, %reduce_min3A_97, %reduce_min3A_98 [1] : vector<1x64xf32> to vector<1xf32>
    %reduce_min3A_100 = vector.shape_cast %reduce_min3A_99 : vector<1xf32> to vector<1x1xf32>
    %reduce_min3A_101 = vector.extract %reduce_min3A_100[0, 0] : f32 from vector<1x1xf32>
    %iota3A_102 = tpu.iota {dimensions = array<i32: 1>} : vector<1x64xi32>
    %iota3A_103 = vector.shape_cast %iota3A_102 : vector<1x64xi32> to vector<64xi32>
    %le3A = vector.broadcast %reduce_min3A_101 : f32 to vector<64xf32>
    %le3A_104 = arith.cmpf ole, %reduce_sum3A_54, %le3A : vector<64xf32>
    %jit3A_105 = arith.constant 64 : i32
    %broadcast_in_dim3A_106 = vector.broadcast %jit3A_105 : i32 to vector<64xi32>
    %select_n3A_107 = arith.select %le3A_104, %iota3A_103, %broadcast_in_dim3A_106 : vector<64xi1>, vector<64xi32>
    %reduce_min3A_108 = vector.shape_cast %select_n3A_107 : vector<64xi32> to vector<1x64xi32>
    %reduce_min3A_109 = arith.constant dense<2147483647> : vector<1xi32>
    %reduce_min3A_110 = vector.multi_reduction <minsi>, %reduce_min3A_108, %reduce_min3A_109 [1] : vector<1x64xi32> to vector<1xi32>
    %reduce_min3A_111 = vector.shape_cast %reduce_min3A_110 : vector<1xi32> to vector<1x1xi32>
    %reduce_min3A_112 = vector.extract %reduce_min3A_111[0, 0] : i32 from vector<1x1xi32>
    %mul3A_113 = arith.constant 64 : i32
    %mul3A_114 = arith.muli %reduce_min3A_112, %mul3A_113 : i32
    %convert_element_type3A_115 = arith.fptosi %reduce_min3A_101 : f32 to i32
    %add3A_116 = arith.addi %mul3A_114, %convert_element_type3A_115 : i32
    %broadcast_in_dim3A_117 = vector.broadcast %add3A_116 : i32 to vector<2048xi32>
    %select_n3A_118 = arith.select %lt3A_92, %add3A_96, %broadcast_in_dim3A_117 : vector<2048xi1>, vector<2048xi32>
    %swap3A = arith.constant 0 : index
    %swap3A_119 = arith.constant 0 : index
    %swap3A_120 = vector.load %arg3[%swap3A, %swap3A_119] : memref<1x2048xi32, #tpu.memory_space<vmem>>, vector<1x2048xi32>
    %swap3A_121 = vector.shape_cast %swap3A_120 : vector<1x2048xi32> to vector<2048xi32>
    %swap3A_122 = vector.shape_cast %select_n3A_118 : vector<2048xi32> to vector<1x2048xi32>
    tpu.vector_store %arg3[%swap3A, %swap3A_119], %swap3A_122 {strides = array<i32>} : memref<1x2048xi32, #tpu.memory_space<vmem>>, vector<1x2048xi32>,
    %jit3A_123 = arith.constant 4096 : i32
    %broadcast_in_dim3A_124 = vector.broadcast %jit3A_123 : i32 to vector<2048xi32>
    %select_n3A_125 = arith.select %lt3A_92, %add3A_96, %broadcast_in_dim3A_124 : vector<2048xi1>, vector<2048xi32>
    %swap3A_126 = arith.constant 0 : index
    %swap3A_127 = arith.constant 0 : index
    %swap3A_128 = vector.load %arg4[%swap3A_126, %swap3A_127] : memref<1x2048xi32, #tpu.memory_space<vmem>>, vector<1x2048xi32>
    %swap3A_129 = vector.shape_cast %swap3A_128 : vector<1x2048xi32> to vector<2048xi32>
    %swap3A_130 = vector.shape_cast %select_n3A_125 : vector<2048xi32> to vector<1x2048xi32>
    tpu.vector_store %arg4[%swap3A_126, %swap3A_127], %swap3A_130 {strides = array<i32>} : memref<1x2048xi32, #tpu.memory_space<vmem>>, vector<1x2048xi32>,
    %swap3A_131 = arith.constant 0 : index
    %swap3A_132 = arith.constant 0 : index
    %swap3A_133 = vector.load %arg5[%swap3A_131, %swap3A_132] : memref<1x2048xf32, #tpu.memory_space<vmem>>, vector<1x2048xf32>
    %swap3A_134 = vector.shape_cast %swap3A_133 : vector<1x2048xf32> to vector<2048xf32>
    %swap3A_135 = vector.shape_cast %squeeze3A : vector<2048xf32> to vector<1x2048xf32>
    tpu.vector_store %arg5[%swap3A_131, %swap3A_132], %swap3A_135 {strides = array<i32>} : memref<1x2048xf32, #tpu.memory_space<vmem>>, vector<1x2048xf32>,
    %add3A_136 = arith.addf %div3A_72, %mul3A_89 : f32
    %reshape3A_137 = vector.broadcast %add3A_136 : f32 to vector<1x1xf32>
    %swap3A_138 = arith.constant 0 : index
    %swap3A_139 = arith.constant 0 : index
    %swap3A_140 = vector.load %arg6[%swap3A_138, %swap3A_139] : memref<1x1xf32, #tpu.memory_space<vmem>>, vector<1x1xf32>
    tpu.vector_store %arg6[%swap3A_138, %swap3A_139], %reshape3A_137 {strides = array<i32>} : memref<1x1xf32, #tpu.memory_space<vmem>>, vector<1x1xf32>,
    return
  }
}

module attributes {stable_mosaic.version = 14 : i64} {
  func.func @_ffn_body(%arg0: i32, %arg1: memref<128x768xf32, #tpu.memory_space<vmem>>, %arg2: memref<2x768x768xf32, #tpu.memory_space<vmem>>, %arg3: memref<2x1x768xf32, #tpu.memory_space<vmem>>, %arg4: memref<2x768x768xf32, #tpu.memory_space<vmem>>, %arg5: memref<2x1x768xf32, #tpu.memory_space<vmem>>, %arg6: memref<2x1x64xf32, #tpu.memory_space<vmem>>, %arg7: memref<128x768xf32, #tpu.memory_space<vmem>>) attributes {dimension_semantics = [#tpu.dimension_semantics<arbitrary>], iteration_bounds = array<i64: 32>, scalar_prefetch = 0 : i64, scratch_operands = 0 : i64, tpu.core_type = #tpu.core_type<tc>, window_params = [{transform_indices = @transform_0, window_bounds = array<i64: 128, 768>}, {transform_indices = @transform_1, window_bounds = array<i64: 2, 768, 768>}, {transform_indices = @transform_2, window_bounds = array<i64: 2, 1, 768>}, {transform_indices = @transform_3, window_bounds = array<i64: 2, 768, 768>}, {transform_indices = @transform_4, window_bounds = array<i64: 2, 1, 768>}, {transform_indices = @transform_5, window_bounds = array<i64: 2, 1, 64>}, {transform_indices = @transform_6, window_bounds = array<i64: 128, 768>}]} {
    %get3A = arith.constant 0 : index
    %get3A_0 = arith.constant 0 : index
    %get3A_1 = vector.load %arg1[%get3A, %get3A_0] : memref<128x768xf32, #tpu.memory_space<vmem>>, vector<64x768xf32>
    %get3A_2 = arith.constant 0 : index
    %get3A_3 = arith.constant 0 : index
    %get3A_4 = arith.constant 0 : index
    %get3A_5 = vector.load %arg2[%get3A_2, %get3A_3, %get3A_4] : memref<2x768x768xf32, #tpu.memory_space<vmem>>, vector<1x768x768xf32>
    %get3A_6 = vector.shape_cast %get3A_5 : vector<1x768x768xf32> to vector<768x768xf32>
    %dot_general3A = arith.constant dense<0.000000e+00> : vector<64x768xf32>
    %dot_general3A_7 = tpu.matmul %get3A_1, %get3A_6, %dot_general3A {dimension_numbers = #tpu.dot_dimension_numbers<[1], [1], [0], [0], [0, 0, 1, 0], [], []>, transpose_lhs_hint = false} : vector<64x768xf32>, vector<768x768xf32>, vector<64x768xf32> -> vector<64x768xf32>
    %get3A_8 = arith.constant 0 : index
    %get3A_9 = arith.constant 0 : index
    %get3A_10 = arith.constant 0 : index
    %get3A_11 = vector.load %arg3[%get3A_8, %get3A_9, %get3A_10] : memref<2x1x768xf32, #tpu.memory_space<vmem>>, vector<1x1x768xf32>
    %get3A_12 = vector.shape_cast %get3A_11 : vector<1x1x768xf32> to vector<1x768xf32>
    %add3A = vector.broadcast %get3A_12 : vector<1x768xf32> to vector<64x768xf32>
    %add3A_13 = arith.addf %dot_general3A_7, %add3A : vector<64x768xf32>
    %mul3A = arith.constant 5.000000e-01 : f32
    %mul3A_14 = vector.broadcast %mul3A : f32 to vector<64x768xf32>
    %mul3A_15 = arith.mulf %mul3A_14, %add3A_13 : vector<64x768xf32>
    %mul3A_16 = arith.constant 0.707106769 : f32
    %mul3A_17 = vector.broadcast %mul3A_16 : f32 to vector<64x768xf32>
    %mul3A_18 = arith.mulf %add3A_13, %mul3A_17 : vector<64x768xf32>
    %erf3A = math.erf %mul3A_18 : vector<64x768xf32>
    %add3A_19 = arith.constant 1.000000e+00 : f32
    %add3A_20 = vector.broadcast %add3A_19 : f32 to vector<64x768xf32>
    %add3A_21 = arith.addf %add3A_20, %erf3A : vector<64x768xf32>
    %mul3A_22 = arith.mulf %mul3A_15, %add3A_21 : vector<64x768xf32>
    %get3A_23 = arith.constant 0 : index
    %get3A_24 = arith.constant 0 : index
    %get3A_25 = arith.constant 0 : index
    %get3A_26 = vector.load %arg4[%get3A_23, %get3A_24, %get3A_25] : memref<2x768x768xf32, #tpu.memory_space<vmem>>, vector<1x768x768xf32>
    %get3A_27 = vector.shape_cast %get3A_26 : vector<1x768x768xf32> to vector<768x768xf32>
    %dot_general3A_28 = arith.constant dense<0.000000e+00> : vector<64x768xf32>
    %dot_general3A_29 = tpu.matmul %mul3A_22, %get3A_27, %dot_general3A_28 {dimension_numbers = #tpu.dot_dimension_numbers<[1], [1], [0], [0], [0, 0, 1, 0], [], []>, transpose_lhs_hint = false} : vector<64x768xf32>, vector<768x768xf32>, vector<64x768xf32> -> vector<64x768xf32>
    %get3A_30 = arith.constant 0 : index
    %get3A_31 = arith.constant 0 : index
    %get3A_32 = arith.constant 0 : index
    %get3A_33 = vector.load %arg5[%get3A_30, %get3A_31, %get3A_32] : memref<2x1x768xf32, #tpu.memory_space<vmem>>, vector<1x1x768xf32>
    %get3A_34 = vector.shape_cast %get3A_33 : vector<1x1x768xf32> to vector<1x768xf32>
    %add3A_35 = vector.broadcast %get3A_34 : vector<1x768xf32> to vector<64x768xf32>
    %add3A_36 = arith.addf %dot_general3A_29, %add3A_35 : vector<64x768xf32>
    %get3A_37 = arith.constant 0 : index
    %get3A_38 = arith.constant 0 : index
    %get3A_39 = arith.constant 0 : index
    %get3A_40 = vector.load %arg6[%get3A_37, %get3A_38, %get3A_39] : memref<2x1x64xf32, #tpu.memory_space<vmem>>, vector<1x1x64xf32>
    %get3A_41 = vector.shape_cast %get3A_40 : vector<1x1x64xf32> to vector<64xf32>
    %reshape3A = vector.shape_cast %get3A_41 : vector<64xf32> to vector<64x1xf32>
    %mul3A_42 = vector.broadcast %reshape3A : vector<64x1xf32> to vector<64x768xf32>
    %mul3A_43 = arith.mulf %add3A_36, %mul3A_42 : vector<64x768xf32>
    %swap3A = arith.constant 0 : index
    %swap3A_44 = arith.constant 0 : index
    %swap3A_45 = vector.load %arg7[%swap3A, %swap3A_44] : memref<128x768xf32, #tpu.memory_space<vmem>>, vector<64x768xf32>
    tpu.vector_store %arg7[%swap3A, %swap3A_44], %mul3A_43 {strides = array<i32>} : memref<128x768xf32, #tpu.memory_space<vmem>>, vector<64x768xf32>,
    %get3A_46 = arith.constant 64 : index
    %get3A_47 = arith.constant 0 : index
    %get3A_48 = vector.load %arg1[%get3A_46, %get3A_47] : memref<128x768xf32, #tpu.memory_space<vmem>>, vector<64x768xf32>
    %get3A_49 = arith.constant 1 : index
    %get3A_50 = arith.constant 0 : index
    %get3A_51 = arith.constant 0 : index
    %get3A_52 = vector.load %arg2[%get3A_49, %get3A_50, %get3A_51] : memref<2x768x768xf32, #tpu.memory_space<vmem>>, vector<1x768x768xf32>
    %get3A_53 = vector.shape_cast %get3A_52 : vector<1x768x768xf32> to vector<768x768xf32>
    %dot_general3A_54 = arith.constant dense<0.000000e+00> : vector<64x768xf32>
    %dot_general3A_55 = tpu.matmul %get3A_48, %get3A_53, %dot_general3A_54 {dimension_numbers = #tpu.dot_dimension_numbers<[1], [1], [0], [0], [0, 0, 1, 0], [], []>, transpose_lhs_hint = false} : vector<64x768xf32>, vector<768x768xf32>, vector<64x768xf32> -> vector<64x768xf32>
    %get3A_56 = arith.constant 1 : index
    %get3A_57 = arith.constant 0 : index
    %get3A_58 = arith.constant 0 : index
    %get3A_59 = vector.load %arg3[%get3A_56, %get3A_57, %get3A_58] : memref<2x1x768xf32, #tpu.memory_space<vmem>>, vector<1x1x768xf32>
    %get3A_60 = vector.shape_cast %get3A_59 : vector<1x1x768xf32> to vector<1x768xf32>
    %add3A_61 = vector.broadcast %get3A_60 : vector<1x768xf32> to vector<64x768xf32>
    %add3A_62 = arith.addf %dot_general3A_55, %add3A_61 : vector<64x768xf32>
    %mul3A_63 = arith.constant 5.000000e-01 : f32
    %mul3A_64 = vector.broadcast %mul3A_63 : f32 to vector<64x768xf32>
    %mul3A_65 = arith.mulf %mul3A_64, %add3A_62 : vector<64x768xf32>
    %mul3A_66 = arith.constant 0.707106769 : f32
    %mul3A_67 = vector.broadcast %mul3A_66 : f32 to vector<64x768xf32>
    %mul3A_68 = arith.mulf %add3A_62, %mul3A_67 : vector<64x768xf32>
    %erf3A_69 = math.erf %mul3A_68 : vector<64x768xf32>
    %add3A_70 = arith.constant 1.000000e+00 : f32
    %add3A_71 = vector.broadcast %add3A_70 : f32 to vector<64x768xf32>
    %add3A_72 = arith.addf %add3A_71, %erf3A_69 : vector<64x768xf32>
    %mul3A_73 = arith.mulf %mul3A_65, %add3A_72 : vector<64x768xf32>
    %get3A_74 = arith.constant 1 : index
    %get3A_75 = arith.constant 0 : index
    %get3A_76 = arith.constant 0 : index
    %get3A_77 = vector.load %arg4[%get3A_74, %get3A_75, %get3A_76] : memref<2x768x768xf32, #tpu.memory_space<vmem>>, vector<1x768x768xf32>
    %get3A_78 = vector.shape_cast %get3A_77 : vector<1x768x768xf32> to vector<768x768xf32>
    %dot_general3A_79 = arith.constant dense<0.000000e+00> : vector<64x768xf32>
    %dot_general3A_80 = tpu.matmul %mul3A_73, %get3A_78, %dot_general3A_79 {dimension_numbers = #tpu.dot_dimension_numbers<[1], [1], [0], [0], [0, 0, 1, 0], [], []>, transpose_lhs_hint = false} : vector<64x768xf32>, vector<768x768xf32>, vector<64x768xf32> -> vector<64x768xf32>
    %get3A_81 = arith.constant 1 : index
    %get3A_82 = arith.constant 0 : index
    %get3A_83 = arith.constant 0 : index
    %get3A_84 = vector.load %arg5[%get3A_81, %get3A_82, %get3A_83] : memref<2x1x768xf32, #tpu.memory_space<vmem>>, vector<1x1x768xf32>
    %get3A_85 = vector.shape_cast %get3A_84 : vector<1x1x768xf32> to vector<1x768xf32>
    %add3A_86 = vector.broadcast %get3A_85 : vector<1x768xf32> to vector<64x768xf32>
    %add3A_87 = arith.addf %dot_general3A_80, %add3A_86 : vector<64x768xf32>
    %get3A_88 = arith.constant 1 : index
    %get3A_89 = arith.constant 0 : index
    %get3A_90 = arith.constant 0 : index
    %get3A_91 = vector.load %arg6[%get3A_88, %get3A_89, %get3A_90] : memref<2x1x64xf32, #tpu.memory_space<vmem>>, vector<1x1x64xf32>
    %get3A_92 = vector.shape_cast %get3A_91 : vector<1x1x64xf32> to vector<64xf32>
    %reshape3A_93 = vector.shape_cast %get3A_92 : vector<64xf32> to vector<64x1xf32>
    %mul3A_94 = vector.broadcast %reshape3A_93 : vector<64x1xf32> to vector<64x768xf32>
    %mul3A_95 = arith.mulf %add3A_87, %mul3A_94 : vector<64x768xf32>
    %swap3A_96 = arith.constant 64 : index
    %swap3A_97 = arith.constant 0 : index
    %swap3A_98 = vector.load %arg7[%swap3A_96, %swap3A_97] : memref<128x768xf32, #tpu.memory_space<vmem>>, vector<64x768xf32>
    tpu.vector_store %arg7[%swap3A_96, %swap3A_97], %mul3A_95 {strides = array<i32>} : memref<128x768xf32, #tpu.memory_space<vmem>>, vector<64x768xf32>,
    return
  }
  func.func @transform_0(%arg0: i32) -> (i32, i32) {
    %c0_i32 = arith.constant 0 : i32
    %c0_i32_0 = arith.constant 0 : i32
    return %arg0, %c0_i32 : i32, i32
  }
  func.func @transform_1(%arg0: i32) -> (i32, i32, i32) {
    %c0_i32 = arith.constant 0 : i32
    %c0_i32_0 = arith.constant 0 : i32
    %c0_i32_1 = arith.constant 0 : i32
    return %arg0, %c0_i32, %c0_i32_0 : i32, i32, i32
  }
  func.func @transform_2(%arg0: i32) -> (i32, i32, i32) {
    %c0_i32 = arith.constant 0 : i32
    %c0_i32_0 = arith.constant 0 : i32
    %c0_i32_1 = arith.constant 0 : i32
    return %arg0, %c0_i32, %c0_i32_0 : i32, i32, i32
  }
  func.func @transform_3(%arg0: i32) -> (i32, i32, i32) {
    %c0_i32 = arith.constant 0 : i32
    %c0_i32_0 = arith.constant 0 : i32
    %c0_i32_1 = arith.constant 0 : i32
    return %arg0, %c0_i32, %c0_i32_0 : i32, i32, i32
  }
  func.func @transform_4(%arg0: i32) -> (i32, i32, i32) {
    %c0_i32 = arith.constant 0 : i32
    %c0_i32_0 = arith.constant 0 : i32
    %c0_i32_1 = arith.constant 0 : i32
    return %arg0, %c0_i32, %c0_i32_0 : i32, i32, i32
  }
  func.func @transform_5(%arg0: i32) -> (i32, i32, i32) {
    %c0_i32 = arith.constant 0 : i32
    %c0_i32_0 = arith.constant 0 : i32
    %c0_i32_1 = arith.constant 0 : i32
    return %arg0, %c0_i32, %c0_i32_0 : i32, i32, i32
  }
  func.func @transform_6(%arg0: i32) -> (i32, i32) {
    %c0_i32 = arith.constant 0 : i32
    %c0_i32_0 = arith.constant 0 : i32
    return %arg0, %c0_i32 : i32, i32
  }
}

</mosaic_0001>

<sc_bundles>
// kernel: kernel.6.cloned.1.call-start
scs
__scs_entry_jumppad:
0x0: {  	(pc) =	sbr.rel $0x88, $3  }
0x1: {  	(tag) =	ssettag $0x0;
	lr =	simm.s32 $0x1  }
0x2: {  	[smem:$0x3F9A] =	sst lr;
	_ =	strace $0xD0000000  }
0x3: {  	_ = 	snop  }
0x4: {  	_ = 	snop  }
0x5: {  	_ = 	snop  }
0x6: {  	_ = 	snop  }
0x7: {  	_ = 	snop  }
__scs_overlays_trampoline_lowered:
0x8: {  	[smem:$0x3FA9] =	sst s0  }
0x9: {  	[smem:$0x3FAA] =	sst s1  }
0xa: {  	[smem:$0x3FAB] =	sst s2  }
0xb: {  	[smem:$0x3FAC] =	sst s3  }
0xc: {  	[smem:$0x3FAD] =	sst s4  }
0xd: {  	[smem:$0x3FAE] =	sst s5  }
0xe: {  	[smem:$0x3FAF] =	sst s6  }
0xf: {  	[smem:$0x3FB0] =	sst s7  }
0x10: {  	[smem:$0x3FB1] =	sst s8  }
0x11: {  	[smem:$0x3FB2] =	sst s9;
	s0 =	simm.s32 @!p0 $0x0  }
0x12: {  	s1 =	sld [smem:$0x3F98];
	s0 =	simm.s32 @p0 $0x1  }
0x13: {  	[smem:$0x3FB3] =	sst s0;
	s0 =	simm.s32 @!p1 $0x0  }
0x14: {  	s2 =	sld [smem:$0x3F97];
	s0 =	simm.s32 @p1 $0x1  }
0x15: {  	[smem:$0x3FB4] =	sst s0;
	s0 =	simm.s32 @!p2 $0x0  }
0x16: {  	s3 =	sld [smem:$0x3FDB];
	s0 =	simm.s32 @p2 $0x1  }
0x17: {  	s4 =	simm.s32 $0x1BF5;
	[smem:$0x3FB6] =	sst s0  }
0x18: {  	s0 =	sld [smem:$0x3F99];
	_ =	swait.ge [sflag:s4], $0x0  }
0x19: {  	s7 =	sld [smem:$0x3F9A]  }
0x1a: {  	s8 =	sadd.s32 $0xFFFFE003, lr  }
0x1b: {  	s9 =	sadd.s32 $0xFFFFFEF7, lr;
	s5 =	simm.s32 $0xFFFFFFFF;
	p2 =	slt.u32 s8, $0xFFFFF086  }
0x1c: {  	p1 =	slt.u32 s9, $0xF7A;
	s5 =	simm.s32 @!p2 $0x0  }
0x1d: {  	s5 =	simm.s32 @p1 $0x1;
	p0 =	seq.s32 s7, s2  }
0x1e: {  	s7 =	smul.u32 @!p0 $0xF7A, s2;
	p2 =	seq.s32 @!p0 s5, $0x0  }
0x1f: {  	s9 =	smul.u32 $0xF7A, s1;
	s8 =	simm.s32 @!p0 $0x1BF5;
	p2 =	por !p2, p0  }
0x20: {  	[sflag:s8] =	ssyncset.s32 @!p0 $0xFFFFF086;
	s6 =	sadd.s32 @!p0 s3, s7;
	s7 =	simm.s32 @!p0 $0x108  }
0x21: {  	s3 =	sadd.s32 s3, s9;
	s6 =	sadd.s32 @!p0 $0x88, s6;
	s7 =	simm.s32 @p2 $0x1082  }
0x22: {  	[simem:s7], [sflag:s8] =	dma.local @!p0 [hbm:s6], $0xF7A  }
0x23: {  	s9 =	sor.u32 $0xD0000000, s2;
	s6 =	simm.s32 $0x108;
	_ =	swait.ge @!p0 [sflag:s8], $0x0  }
0x24: {  	s3 =	sadd.s32 $0x88, s3;
	s6 =	simm.s32 @!p1 $0x1082;
	[sflag:s4] =	ssyncset.s32 $0xFFFFF086  }
0x25: {  	[simem:s6], [sflag:s4] =	dma.local [hbm:s3], $0xF7A  }
0x26: {  	[smem:$0x3F9A] =	sst s1;
	(tag) =	ssettag s2;
	_ =	strace s9  }
0x27: {  	s1 =	sld [smem:$0x3FAA]  }
0x28: {  	s2 =	sld [smem:$0x3FAB]  }
0x29: {  	s4 =	sld [smem:$0x3FAD]  }
0x2a: {  	p0 =	seq.s32 s5, $0x0;
	s5 =	sld [smem:$0x3FAE]  }
0x2b: {  	s6 =	sld [smem:$0x3FAF]  }
0x2c: {  	s7 =	sld [smem:$0x3FB0]  }
0x2d: {  	s3 =	simm.s32 $0x108;
	s8 =	sld [smem:$0x3FB1]  }
0x2e: {  	s3 =	simm.s32 @!p0 $0x1082;
	s9 =	sld [smem:$0x3FB2]  }
0x2f: {  	lr =	sadd.s32 s0, s3;
	s0 =	sld [smem:$0x3FA9]  }
0x30: {  	s3 =	sld [smem:$0x3FAC]  }
0x31: {  	[smem:$0x3FB5] =	sst s10  }
0x32: {  	s10 =	sld [smem:$0x3FB3];
	_ =	sdelay $0x3  }
0x33: {  	p0 =	seq.s32 s10, $0x1;
	s10 =	sld [smem:$0x3FB5];
	_ =	sdelay $0x3  }
0x34: {  	[smem:$0x3FB5] =	sst s10  }
0x35: {  	s10 =	sld [smem:$0x3FB4];
	_ =	sdelay $0x3  }
0x36: {  	p1 =	seq.s32 s10, $0x1;
	s10 =	sld [smem:$0x3FB5];
	_ =	sdelay $0x3  }
0x37: {  	[smem:$0x3FB5] =	sst s10  }
0x38: {  	s10 =	sld [smem:$0x3FB6]  }
0x39: {  	_ = 	snop;
	(pc) =	sbr.ind lr, $3  }
0x3a: {  	_ = 	snop  }
0x3b: {  	_ = 	snop  }
0x3c: {  	p2 =	seq.s32 s10, $0x1;
	s10 =	sld [smem:$0x3FB5]  }
0x3d: {  	_ =	shalt  }
0x3e: {  	_ =	shalt  }
0x3f: {  	_ =	shalt  }
0x40: {  	_ =	shalt  }
0x41: {  	_ =	shalt  }
0x42: {  	_ =	shalt  }
0x43: {  	_ =	shalt  }
0x44: {  	_ =	shalt  }
0x45: {  	_ =	shalt  }
0x46: {  	_ =	shalt  }
0x47: {  	_ =	shalt  }
0x48: {  	_ =	shalt  }
0x49: {  	_ =	shalt  }
0x4a: {  	_ =	shalt  }
0x4b: {  	_ =	shalt  }
0x4c: {  	_ =	shalt  }
0x4d: {  	_ =	shalt  }
0x4e: {  	_ =	shalt  }
0x4f: {  	_ =	shalt  }
0x50: {  	_ =	shalt  }
0x51: {  	_ =	shalt  }
0x52: {  	_ =	shalt  }
0x53: {  	_ =	shalt  }
0x54: {  	_ =	shalt  }
0x55: {  	_ =	shalt  }
0x56: {  	_ =	shalt  }
0x57: {  	_ =	shalt  }
0x58: {  	_ =	shalt  }
0x59: {  	_ =	shalt  }
0x5a: {  	_ =	shalt  }
0x5b: {  	_ =	shalt  }
0x5c: {  	_ =	shalt  }
0x5d: {  	_ =	shalt  }
0x5e: {  	_ =	shalt  }
0x5f: {  	_ =	shalt  }
0x60: {  	_ =	shalt  }
0x61: {  	_ =	shalt  }
0x62: {  	_ =	shalt  }
0x63: {  	_ =	shalt  }
0x64: {  	_ =	shalt  }
0x65: {  	_ =	shalt  }
0x66: {  	_ =	shalt  }
0x67: {  	_ =	shalt  }
0x68: {  	_ =	shalt  }
0x69: {  	_ =	shalt  }
0x6a: {  	_ =	shalt  }
0x6b: {  	_ =	shalt  }
0x6c: {  	_ =	shalt  }
0x6d: {  	_ =	shalt  }
0x6e: {  	_ =	shalt  }
0x6f: {  	_ =	shalt  }
0x70: {  	_ =	shalt  }
0x71: {  	_ =	shalt  }
0x72: {  	_ =	shalt  }
0x73: {  	_ =	shalt  }
0x74: {  	_ =	shalt  }
0x75: {  	_ =	shalt  }
0x76: {  	_ =	shalt  }
0x77: {  	_ =	shalt  }
0x78: {  	_ =	shalt  }
0x79: {  	_ =	shalt  }
0x7a: {  	_ =	shalt  }
0x7b: {  	_ =	shalt  }
0x7c: {  	_ =	shalt  }
0x7d: {  	_ =	shalt  }
0x7e: {  	_ =	shalt  }
0x7f: {  	_ =	shalt  }
0x80: {  	_ =	shalt  }
0x81: {  	_ =	shalt  }
0x82: {  	_ =	shalt  }
0x83: {  	_ =	shalt  }
0x84: {  	_ =	shalt  }
0x85: {  	_ =	shalt  }
0x86: {  	_ =	shalt  }
0x87: {  	_ =	shalt  }
.Lfunc_end0:
.L_simem_size_0:
called_computation_lowered:
.L_overlay_start_0:
0x88: {  	s2 =	sld [smem:$0x3FD9]  }
0x89: {  	s3 =	sld [smem:$0x3FFE];
	_ =	sdelay $0x1  }
0x8a: {  	s1 =	srdreg.scid  }
0x8b: {  	s0 =	sand.u32 $0x1, s1  }
0x8c: {  	s14 =	sshll.u32 s0, $0xA;
	s2 =	sadd.s32 s3, s2  }
0x8d: {  	s2 =	sadd.s32 s2, s14  }
0x8e: {  	[smem:$0x3FC1] =	sst s2  }
0x8f: {  	_ = 	snop  }
0x90: {  	s2 =	sld [smem:$0x3FD0];
	_ =	sdelay $0x2  }
0x91: {  	s4 =	simm.s32 $0xA;
	s5 =	simm.s32 $0x10;
	s15 =	sld [smem:$0x3FC9]  }
0x92: {  	[smem:s5], [sflag:s4] =	dma.local [hbm:s2], $0x1  }
0x93: {  	_ =	swait.eq [sflag:s4], $0x1  }
0x94: {  	[sflag:s4] =	ssyncset.done $0x0  }
0x95: {  	[sflag:s4] =	ssyncadd.s32 $0xFFFFFFFF  }
0x96: {  	s16 =	sld [smem:$0x10];
	(tm) =	ssettm $0x1  }
0x97: {  	s17 =	sld [smem:$0x3FFB];
	_ =	sdelay $0x3  }
0x98: {  	_ =	strace s17  }
0x99: {  	s4 =	sld [smem:$0x3FFC];
	_ =	sdelay $0x3  }
0x9a: {  	_ =	strace s4  }
0x9b: {  	s4 =	sld [smem:$0x3FFD];
	_ =	sdelay $0x3  }
0x9c: {  	_ =	strace s4  }
0x9d: {  	_ =	strace $0x8FFFFFFF  }
0x9e: {  	s18 =	sld [smem:$0x3FDB];
	_ =	sdelay $0x1  }
0x9f: {  	s19 =	simm.s32 $_scs_section_size  }
0xa0: {  	s6 =	simm.s32 $_size__tile_overlayer_lowered;
	s7 =	simm.s32 $_tile_overlayer_lowered  }
0xa1: {  	s22 =	simm.s32 $0x1BFF;
	s21 =	sshll.u32 s7, $0x1;
	s4 =	sadd.s32 s19, s18  }
0xa2: {  	s8 =	simm.s32 $0x0;
	s20 =	sshll.u32 s6, $0x1;
	s6 =	sadd.s32 s21, s4  }
0xa3: {  	[timem:s8], [sflag:s22] =	dma.local [hbm:s6], s20  }
0xa4: {  	_ =	swait.ge [sflag:s22], s20  }
0xa5: {  	s5 =	ssub.s32 $0x0, s20;
	[sflag:s22] =	ssyncset.done $0x0  }
0xa6: {  	[sflag:s22] =	ssyncadd.s32 s5;
	_ =	sdelay $0x1  }
0xa7: {  	s23 =	simm.s32 $0x1B8B  }
0xa8: {  	_ =	swait.ge [sflag:s23], $0x1  }
0xa9: {  	[sflag:s23] =	ssyncset.done $0x0  }
0xaa: {  	s25 =	simm.s32 $0x1B8E;
	s24 =	sld [smem:$0x3FFE];
	[sflag:s23] =	ssyncadd.s32 $0xFFFFFFFF  }
0xab: {  	s26 =	simm.s32 $execute0_lowered;
	[smem:$0x3FD2] =	sst s25  }
0xac: {  	s6 =	sshll.u32 s26, $0x1;
	_ =	strace $0x80000046;
	[dreg:$0x1] =	wrdreg $0xFFFFFFFF  }
0xad: {  	s28 =	simm.s32 $_size_execute0_lowered;
	s4 =	sadd.s32 s4, s6;
	[dreg:$0x0] =	wrdreg $0x0  }
0xae: {  	s6 =	sshll.u32 s28, $0x1;
	[dreg:$0x2] =	wrdreg s4  }
0xaf: {  	[dreg:$0x3] =	wrdreg s6  }
0xb0: {  	[dreg:$0x4] =	wrdreg $0xC0  }
0xb1: {  	_ =	task [dreg:s8], $0x5FFFF  }
0xb2: {  	[dreg:$0x1] =	wrdreg $0xFFFFFFFF  }
0xb3: {  	[dreg:$0x0] =	wrdreg $0x60  }
0xb4: {  	[dreg:$0x2] =	wrdreg s15  }
0xb5: {  	[dreg:$0x3] =	wrdreg s16  }
0xb6: {  	[dreg:$0x4] =	wrdreg s24  }
0xb7: {  	[dreg:$0x5] =	wrdreg $0x9  }
0xb8: {  	_ =	task.clear_ibuf [dreg:s8], $0x6FFFF;
	_ =	strace $0x90000046  }
0xb9: {  	s29 =	simm.s32 $0x9;
	_ =	strace $0x80000048  }
0xba: {  	_ =	swait.ge [sflag:s29], $0x1  }
0xbb: {  	[sflag:s29] =	ssyncadd.s32 $0xFFFFFFFF  }
0xbc: {  	_ =	strace $0x90000048  }
0xbd: {  	_ =	sfence  }
0xbe: {  	s30 =	sld [smem:$0x0];
	_ =	sdelay $0x2  }
0xbf: {  	s31 =	sshll.u32 s1, $0xD;
	s1 =	sshrl.u32 s1, $0x2  }
0xc0: {  	s3 =	sand.u32 $0x4000, s31;
	s1 =	sadd.s32 s1, s30  }
0xc1: {  	s0 =	sor.u32 s3, s0;
	s1 =	sshll.u32 s1, $0x11  }
0xc2: {  	s0 =	sor.u32 s1, s0  }
0xc3: {  	s0 =	sadd.s32 $0x8F2B, s0  }
0xc4: {  	[sflag:s0] =	ssyncadd.remote.s32 $0x1  }
0xc5: {  	_ =	sfence.sel $0xFFFF  }
0xc6: {  	[dreg:$0x0] =	wrdreg $0xFFFFFFFF;
	(pc) =	sbr.abs _section_cstart, $3  }
0xc7: {  	[dreg:$0x1] =	wrdreg $0xFFFFFFFF  }
0xc8: {  	_ =	task.clear_ibuf [dreg:s8], $0x2FFFF;
	_ =	strace $0x9FFFFFFF  }
0xc9: {  	(tm) =	ssettm $0x7FFFFFFF  }
tec
execute0_lowered:
.L_overlay_start_1:
0x0: {  	(tag) =	ssettag $0x1  }
0x1: {  	s2 =	srdreg.scid  }
0x2: {  	s1 =	rddreg [dreg:$0x0];
	s0 =	stileid.u32;
	s2 =	sand.u32 $0x1, s2  }
0x3: {  	s4 =	rddreg [dreg:$0x1];
	s3 =	sshll.u32 s0, $0x5;
	s5 =	sshll.u32 s2, $0x4  }
0x4: {  	s6 =	rddreg [dreg:$0x2];
	s5 =	sor.u32 s5, s3;
	s3 =	simm.s32 $0x0  }
0x5: {  	[smem:$0x7FF] =	sst s3;
	s4 =	sadd.s32 s4, s5  }
0x6: {  	s24 =	simm.s32 $0x880;
	_ =	strace $0x80000047;
	[dreg:$0x4] =	wrdreg s4  }
0x7: {  	s25 =	simm.s32 $0x1080;
	[dreg:$0x6] =	wrdreg s24  }
0x8: {  	s26 =	simm.s32 $0x1880;
	[dreg:$0x7] =	wrdreg s25  }
0x9: {  	s0 =	simm.s32 $0x2080;
	[dreg:$0x8] =	wrdreg s26  }
0xa: {  	s7 =	smul.u32 $0x300, s5;
	s5 =	simm.s32 $0x2880;
	[dreg:$0x9] =	wrdreg s0  }
0xb: {  	s8 =	simm.s32 $0x4080;
	[dreg:$0xa] =	wrdreg s5  }
0xc: {  	s9 =	simm.s32 $0x4880;
	[dreg:$0xd] =	wrdreg s8  }
0xd: {  	s10 =	simm.s32 $0x5080;
	[dreg:$0xe] =	wrdreg s9  }
0xe: {  	s11 =	simm.s32 $0x5880;
	[dreg:$0xf] =	wrdreg s10  }
0xf: {  	s12 =	simm.s32 $0x6080;
	s13 =	simm.s32 $0x6880;
	[dreg:$0x10] =	wrdreg s11  }
0x10: {  	s14 =	simm.s32 $0x7080;
	s15 =	simm.s32 $0x7880;
	[dreg:$0x11] =	wrdreg s12  }
0x11: {  	s16 =	simm.s32 $0x8080;
	s17 =	simm.s32 $0x8880;
	[dreg:$0x12] =	wrdreg s13  }
0x12: {  	s18 =	simm.s32 $0x9080;
	s20 =	simm.s32 $0x9880;
	[dreg:$0x13] =	wrdreg s14  }
0x13: {  	s21 =	simm.s32 $0xA080;
	s22 =	simm.s32 $0xA880;
	[dreg:$0x14] =	wrdreg s15  }
0x14: {  	s28 =	simm.s32 $0x16080;
	s29 =	simm.s32 $0x16880;
	[dreg:$0x15] =	wrdreg s16  }
0x15: {  	s30 =	simm.s32 $0x17080;
	s2 =	ssub.s32 $0x2, s2;
	[dreg:$0x16] =	wrdreg s17  }
0x16: {  	s31 =	simm.s32 $0x17880;
	s19 =	sshrl.u32 s2, $0x1;
	[dreg:$0x17] =	wrdreg s18  }
0x17: {  	s2 =	ssub.s32 s2, s19;
	s19 =	simm.s32 $0x12080;
	[dreg:$0x18] =	wrdreg s20  }
0x18: {  	s4 =	sadd.s32 $0x100, s1;
	[dreg:$0x19] =	wrdreg s21;
	s5 =	sadd.s32 $0x200, s1  }
0x19: {  	[dreg:$0x1a] =	wrdreg s22;
	s24 =	simm.s32 $0xB880;
	s25 =	simm.s32 $0xC080  }
0x1a: {  	s8 =	simm.s32 $0x80;
	s26 =	simm.s32 $0xC880;
	s10 =	simm.s32 $0xD880  }
0x1b: {  	s11 =	simm.s32 $0xE080;
	s12 =	simm.s32 $0xE880;
	s13 =	simm.s32 $0xF080  }
0x1c: {  	s14 =	simm.s32 $0xF880;
	s15 =	simm.s32 $0x10080;
	s16 =	simm.s32 $0x10880  }
0x1d: {  	s17 =	simm.s32 $0x11080;
	s18 =	simm.s32 $0x11880;
	s20 =	simm.s32 $0x12880  }
0x1e: {  	s21 =	simm.s32 $0x13080;
	s22 =	simm.s32 $0x13880;
	[dreg:$0x1c] =	wrdreg s24  }
0x1f: {  	s6 =	sadd.s32 s7, s6;
	s7 =	simm.s32 $0x3880;
	[dreg:$0x1d] =	wrdreg s25  }
0x20: {  	[dreg:$0x1e] =	wrdreg s26;
	s24 =	simm.s32 $0x14880;
	s25 =	simm.s32 $0x15080  }
0x21: {  	s26 =	simm.s32 $0x15880;
	s23 =	sadd.s32 $0x1600, s6;
	[dreg:$0xc] =	wrdreg s7  }
0x22: {  	v2 =	vlaneseq.u32;
	s6 =	simm.s32 $0x3080;
	s7 =	simm.s32 $0x2;
	[dreg:$0x5] =	wrdreg s23  }
0x23: {  	vm0 =	vmmov $0xffff;
	v1 =	vshrl.u32 v2, $0x3;
	[dreg:$0xb] =	wrdreg s6;
	s23 =	simm.s32 $0xB080;
	s6 =	smax.u32 s2, $0x1  }
0x24: {  	v0 =	vand.u32 $0x7, v2;
	v2 =	vor.u32 $0x8, v2;
	v1 =	vmul.u32 $0x8, v1;
	s2 =	simm.s32 $0x1;
	[dreg:$0x1b] =	wrdreg s23;
	s23 =	simm.s32 $0x14080  }
.LBB2_1:
0x25: {  	s0 =	rddreg [dreg:$0x4]  }
0x26: {  	[tilespmem:s3], [sflag:$0x2] =	stream.linear.gather [hbm4b:s0+s3], $0x80, $0x38;
	[tilespmem:$0x18080] =	vst v63  }
0x27: {  	_ =	swait.ge [sflag:s7], $0x80  }
0x28: {  	[sflag:s7] =	ssyncset.done $0x0  }
0x29: {  	[sflag:s7] =	ssyncadd.s32 $0xFFFFFF80  }
0x2a: {  	v3 =	vld [tilespmem:$0x0];
	_ =	sdelay $0x4  }
0x2b: {  	v4 =	vshrl.u32 v3, $0x3  }
0x2c: {  	v4 =	vmul.u32 $0x30, v4  }
0x2d: {  	v3 =	vand.u32 $0x7, v3  }
0x2e: {  	v3 =	vor.u32 v3, v4  }
0x2f: {  	v4 =	vperm.xlane v3, v0;
	_ =	sdelay $0x1  }
0x30: {  	v4 =	vadd.s32 v1, v4;
	_ =	sdelay $0x3  }
0x31: {  	v3 =	vperm.xlane v3, v2  }
0x32: {  	[tilespmem:s8], [sflag:$0x1] =	stream.indirect_vreg.gather [hbm4b:s1+s3], $0x80, v4, vm0, $0xb8;
	[tilespmem:$0x18080] =	vst v63  }
0x33: {  	s0 =	rddreg [dreg:$0x6];
	v3 =	vadd.s32 v1, v3  }
0x34: {  	[tilespmem:s0], [sflag:$0x1] =	stream.indirect_vreg.gather [hbm4b:s4+s3], $0x80, v4, vm0, $0xb8;
	[tilespmem:$0x18080] =	vst v63  }
0x35: {  	s9 =	rddreg [dreg:$0x7]  }
0x36: {  	[tilespmem:s9], [sflag:$0x1] =	stream.indirect_vreg.gather [hbm4b:s5+s3], $0x80, v4, vm0, $0xb8;
	[tilespmem:$0x18080] =	vst v63  }
0x37: {  	s0 =	rddreg [dreg:$0x8]  }
0x38: {  	[tilespmem:s0], [sflag:$0x1] =	stream.indirect_vreg.gather [hbm4b:s1+s3], $0x80, v3, vm0, $0xb8;
	[tilespmem:$0x18080] =	vst v63  }
0x39: {  	s9 =	rddreg [dreg:$0x9]  }
0x3a: {  	[tilespmem:s9], [sflag:$0x1] =	stream.indirect_vreg.gather [hbm4b:s4+s3], $0x80, v3, vm0, $0xb8;
	[tilespmem:$0x18080] =	vst v63  }
0x3b: {  	s0 =	rddreg [dreg:$0xa]  }
0x3c: {  	[tilespmem:s0], [sflag:$0x1] =	stream.indirect_vreg.gather [hbm4b:s5+s3], $0x80, v3, vm0, $0xb8;
	[tilespmem:$0x18080] =	vst v63  }
0x3d: {  	v3 =	vld [tilespmem:$0x10];
	_ =	sdelay $0x4  }
0x3e: {  	v57 =	vshrl.u32 v3, $0x3  }
0x3f: {  	v4 =	vmul.u32 $0x30, v57  }
0x40: {  	v3 =	vand.u32 $0x7, v3  }
0x41: {  	v3 =	vor.u32 v3, v4  }
0x42: {  	v4 =	vperm.xlane v3, v0;
	_ =	sdelay $0x1  }
0x43: {  	v4 =	vadd.s32 v1, v4;
	_ =	sdelay $0x3  }
0x44: {  	s0 =	rddreg [dreg:$0xb];
	v3 =	vperm.xlane v3, v2  }
0x45: {  	[tilespmem:s0], [sflag:$0x1] =	stream.indirect_vreg.gather [hbm4b:s1+s3], $0x80, v4, vm0, $0xb8;
	[tilespmem:$0x18080] =	vst v63  }
0x46: {  	s9 =	rddreg [dreg:$0xc];
	v3 =	vadd.s32 v1, v3  }
0x47: {  	[tilespmem:s9], [sflag:$0x1] =	stream.indirect_vreg.gather [hbm4b:s4+s3], $0x80, v4, vm0, $0xb8;
	[tilespmem:$0x18080] =	vst v63  }
0x48: {  	s0 =	rddreg [dreg:$0xd]  }
0x49: {  	[tilespmem:s0], [sflag:$0x1] =	stream.indirect_vreg.gather [hbm4b:s5+s3], $0x80, v4, vm0, $0xb8;
	[tilespmem:$0x18080] =	vst v63  }
0x4a: {  	s9 =	rddreg [dreg:$0xe]  }
0x4b: {  	[tilespmem:s9], [sflag:$0x1] =	stream.indirect_vreg.gather [hbm4b:s1+s3], $0x80, v3, vm0, $0xb8;
	[tilespmem:$0x18080] =	vst v63  }
0x4c: {  	s0 =	rddreg [dreg:$0xf]  }
0x4d: {  	[tilespmem:s0], [sflag:$0x1] =	stream.indirect_vreg.gather [hbm4b:s4+s3], $0x80, v3, vm0, $0xb8;
	[tilespmem:$0x18080] =	vst v63  }
0x4e: {  	s9 =	rddreg [dreg:$0x10]  }
0x4f: {  	[tilespmem:s9], [sflag:$0x1] =	stream.indirect_vreg.gather [hbm4b:s5+s3], $0x80, v3, vm0, $0xb8;
	[tilespmem:$0x18080] =	vst v63  }
0x50: {  	v3 =	vld [tilespmem:$0x20];
	_ =	sdelay $0x4  }
0x51: {  	v58 =	vshrl.u32 v3, $0x3  }
0x52: {  	v4 =	vmul.u32 $0x30, v58  }
0x53: {  	v3 =	vand.u32 $0x7, v3  }
0x54: {  	v3 =	vor.u32 v3, v4  }
0x55: {  	v4 =	vperm.xlane v3, v0;
	_ =	sdelay $0x1  }
0x56: {  	v4 =	vadd.s32 v1, v4;
	_ =	sdelay $0x3  }
0x57: {  	s0 =	rddreg [dreg:$0x11];
	v3 =	vperm.xlane v3, v2  }
0x58: {  	[tilespmem:s0], [sflag:$0x1] =	stream.indirect_vreg.gather [hbm4b:s1+s3], $0x80, v4, vm0, $0xb8;
	[tilespmem:$0x18080] =	vst v63  }
0x59: {  	s9 =	rddreg [dreg:$0x12];
	v3 =	vadd.s32 v1, v3  }
0x5a: {  	[tilespmem:s9], [sflag:$0x1] =	stream.indirect_vreg.gather [hbm4b:s4+s3], $0x80, v4, vm0, $0xb8;
	[tilespmem:$0x18080] =	vst v63  }
0x5b: {  	s0 =	rddreg [dreg:$0x13]  }
0x5c: {  	[tilespmem:s0], [sflag:$0x1] =	stream.indirect_vreg.gather [hbm4b:s5+s3], $0x80, v4, vm0, $0xb8;
	[tilespmem:$0x18080] =	vst v63  }
0x5d: {  	s9 =	rddreg [dreg:$0x14]  }
0x5e: {  	[tilespmem:s9], [sflag:$0x1] =	stream.indirect_vreg.gather [hbm4b:s1+s3], $0x80, v3, vm0, $0xb8;
	[tilespmem:$0x18080] =	vst v63  }
0x5f: {  	s0 =	rddreg [dreg:$0x15]  }
0x60: {  	[tilespmem:s0], [sflag:$0x1] =	stream.indirect_vreg.gather [hbm4b:s4+s3], $0x80, v3, vm0, $0xb8;
	[tilespmem:$0x18080] =	vst v63  }
0x61: {  	s9 =	rddreg [dreg:$0x16]  }
0x62: {  	[tilespmem:s9], [sflag:$0x1] =	stream.indirect_vreg.gather [hbm4b:s5+s3], $0x80, v3, vm0, $0xb8;
	[tilespmem:$0x18080] =	vst v63  }
0x63: {  	v3 =	vld [tilespmem:$0x30];
	_ =	sdelay $0x4  }
0x64: {  	v59 =	vshrl.u32 v3, $0x3  }
0x65: {  	v4 =	vmul.u32 $0x30, v59  }
0x66: {  	v3 =	vand.u32 $0x7, v3  }
0x67: {  	v3 =	vor.u32 v3, v4  }
0x68: {  	v4 =	vperm.xlane v3, v0;
	_ =	sdelay $0x1  }
0x69: {  	v4 =	vadd.s32 v1, v4;
	_ =	sdelay $0x3  }
0x6a: {  	s0 =	rddreg [dreg:$0x17];
	v3 =	vperm.xlane v3, v2  }
0x6b: {  	[tilespmem:s0], [sflag:$0x1] =	stream.indirect_vreg.gather [hbm4b:s1+s3], $0x80, v4, vm0, $0xb8;
	[tilespmem:$0x18080] =	vst v63  }
0x6c: {  	s9 =	rddreg [dreg:$0x18];
	v3 =	vadd.s32 v1, v3  }
0x6d: {  	[tilespmem:s9], [sflag:$0x1] =	stream.indirect_vreg.gather [hbm4b:s4+s3], $0x80, v4, vm0, $0xb8;
	[tilespmem:$0x18080] =	vst v63  }
0x6e: {  	s0 =	rddreg [dreg:$0x19]  }
0x6f: {  	[tilespmem:s0], [sflag:$0x1] =	stream.indirect_vreg.gather [hbm4b:s5+s3], $0x80, v4, vm0, $0xb8;
	[tilespmem:$0x18080] =	vst v63  }
0x70: {  	s9 =	rddreg [dreg:$0x1a]  }
0x71: {  	[tilespmem:s9], [sflag:$0x1] =	stream.indirect_vreg.gather [hbm4b:s1+s3], $0x80, v3, vm0, $0xb8;
	[tilespmem:$0x18080] =	vst v63  }
0x72: {  	s0 =	rddreg [dreg:$0x1b]  }
0x73: {  	[tilespmem:s0], [sflag:$0x1] =	stream.indirect_vreg.gather [hbm4b:s4+s3], $0x80, v3, vm0, $0xb8;
	[tilespmem:$0x18080] =	vst v63  }
0x74: {  	s9 =	rddreg [dreg:$0x1c]  }
0x75: {  	[tilespmem:s9], [sflag:$0x1] =	stream.indirect_vreg.gather [hbm4b:s5+s3], $0x80, v3, vm0, $0xb8;
	[tilespmem:$0x18080] =	vst v63  }
0x76: {  	v3 =	vld [tilespmem:$0x40];
	_ =	sdelay $0x4  }
0x77: {  	v60 =	vshrl.u32 v3, $0x3  }
0x78: {  	v4 =	vmul.u32 $0x30, v60  }
0x79: {  	v3 =	vand.u32 $0x7, v3  }
0x7a: {  	v3 =	vor.u32 v3, v4  }
0x7b: {  	v4 =	vperm.xlane v3, v0;
	_ =	sdelay $0x1  }
0x7c: {  	v4 =	vadd.s32 v1, v4;
	_ =	sdelay $0x3  }
0x7d: {  	s0 =	rddreg [dreg:$0x1d];
	v3 =	vperm.xlane v3, v2  }
0x7e: {  	[tilespmem:s0], [sflag:$0x1] =	stream.indirect_vreg.gather [hbm4b:s1+s3], $0x80, v4, vm0, $0xb8;
	[tilespmem:$0x18080] =	vst v63  }
0x7f: {  	s9 =	rddreg [dreg:$0x1e];
	v3 =	vadd.s32 v1, v3  }
0x80: {  	[tilespmem:s9], [sflag:$0x1] =	stream.indirect_vreg.gather [hbm4b:s4+s3], $0x80, v4, vm0, $0xb8;
	[tilespmem:$0x18080] =	vst v63  }
0x81: {  	s9 =	simm.s32 $0xD080  }
0x82: {  	[tilespmem:s9], [sflag:$0x1] =	stream.indirect_vreg.gather [hbm4b:s5+s3], $0x80, v4, vm0, $0xb8;
	[tilespmem:$0x18080] =	vst v63  }
0x83: {  	_ = 	snop  }
0x84: {  	[tilespmem:s10], [sflag:$0x1] =	stream.indirect_vreg.gather [hbm4b:s1+s3], $0x80, v3, vm0, $0xb8;
	[tilespmem:$0x18080] =	vst v63  }
0x85: {  	_ = 	snop  }
0x86: {  	[tilespmem:s11], [sflag:$0x1] =	stream.indirect_vreg.gather [hbm4b:s4+s3], $0x80, v3, vm0, $0xb8;
	[tilespmem:$0x18080] =	vst v63  }
0x87: {  	_ = 	snop  }
0x88: {  	[tilespmem:s12], [sflag:$0x1] =	stream.indirect_vreg.gather [hbm4b:s5+s3], $0x80, v3, vm0, $0xb8;
	[tilespmem:$0x18080] =	vst v63  }
0x89: {  	v3 =	vld [tilespmem:$0x50];
	_ =	sdelay $0x4  }
0x8a: {  	v61 =	vshrl.u32 v3, $0x3  }
0x8b: {  	v4 =	vmul.u32 $0x30, v61  }
0x8c: {  	v3 =	vand.u32 $0x7, v3  }
0x8d: {  	v3 =	vor.u32 v3, v4  }
0x8e: {  	v4 =	vperm.xlane v3, v0;
	_ =	sdelay $0x1  }
0x8f: {  	v4 =	vadd.s32 v1, v4;
	_ =	sdelay $0x3  }
0x90: {  	v3 =	vperm.xlane v3, v2  }
0x91: {  	[tilespmem:s13], [sflag:$0x1] =	stream.indirect_vreg.gather [hbm4b:s1+s3], $0x80, v4, vm0, $0xb8;
	[tilespmem:$0x18080] =	vst v63  }
0x92: {  	v3 =	vadd.s32 v1, v3  }
0x93: {  	[tilespmem:s14], [sflag:$0x1] =	stream.indirect_vreg.gather [hbm4b:s4+s3], $0x80, v4, vm0, $0xb8;
	[tilespmem:$0x18080] =	vst v63  }
0x94: {  	_ = 	snop  }
0x95: {  	[tilespmem:s15], [sflag:$0x1] =	stream.indirect_vreg.gather [hbm4b:s5+s3], $0x80, v4, vm0, $0xb8;
	[tilespmem:$0x18080] =	vst v63  }
0x96: {  	_ = 	snop  }
0x97: {  	[tilespmem:s16], [sflag:$0x1] =	stream.indirect_vreg.gather [hbm4b:s1+s3], $0x80, v3, vm0, $0xb8;
	[tilespmem:$0x18080] =	vst v63  }
0x98: {  	_ = 	snop  }
0x99: {  	[tilespmem:s17], [sflag:$0x1] =	stream.indirect_vreg.gather [hbm4b:s4+s3], $0x80, v3, vm0, $0xb8;
	[tilespmem:$0x18080] =	vst v63  }
0x9a: {  	_ = 	snop  }
0x9b: {  	[tilespmem:s18], [sflag:$0x1] =	stream.indirect_vreg.gather [hbm4b:s5+s3], $0x80, v3, vm0, $0xb8;
	[tilespmem:$0x18080] =	vst v63  }
0x9c: {  	v3 =	vld [tilespmem:$0x60];
	_ =	sdelay $0x4  }
0x9d: {  	v62 =	vshrl.u32 v3, $0x3  }
0x9e: {  	v4 =	vmul.u32 $0x30, v62  }
0x9f: {  	v3 =	vand.u32 $0x7, v3  }
0xa0: {  	v3 =	vor.u32 v3, v4  }
0xa1: {  	v4 =	vperm.xlane v3, v0;
	_ =	sdelay $0x1  }
0xa2: {  	v4 =	vadd.s32 v1, v4;
	_ =	sdelay $0x3  }
0xa3: {  	v3 =	vperm.xlane v3, v2  }
0xa4: {  	[tilespmem:s19], [sflag:$0x1] =	stream.indirect_vreg.gather [hbm4b:s1+s3], $0x80, v4, vm0, $0xb8;
	[tilespmem:$0x18080] =	vst v63  }
0xa5: {  	v3 =	vadd.s32 v1, v3  }
0xa6: {  	[tilespmem:s20], [sflag:$0x1] =	stream.indirect_vreg.gather [hbm4b:s4+s3], $0x80, v4, vm0, $0xb8;
	[tilespmem:$0x18080] =	vst v63  }
0xa7: {  	_ = 	snop  }
0xa8: {  	[tilespmem:s21], [sflag:$0x1] =	stream.indirect_vreg.gather [hbm4b:s5+s3], $0x80, v4, vm0, $0xb8;
	[tilespmem:$0x18080] =	vst v63  }
0xa9: {  	_ = 	snop  }
0xaa: {  	[tilespmem:s22], [sflag:$0x1] =	stream.indirect_vreg.gather [hbm4b:s1+s3], $0x80, v3, vm0, $0xb8;
	[tilespmem:$0x18080] =	vst v63  }
0xab: {  	_ = 	snop  }
0xac: {  	[tilespmem:s23], [sflag:$0x1] =	stream.indirect_vreg.gather [hbm4b:s4+s3], $0x80, v3, vm0, $0xb8;
	[tilespmem:$0x18080] =	vst v63  }
0xad: {  	_ = 	snop  }
0xae: {  	[tilespmem:s24], [sflag:$0x1] =	stream.indirect_vreg.gather [hbm4b:s5+s3], $0x80, v3, vm0, $0xb8;
	[tilespmem:$0x18080] =	vst v63  }
0xaf: {  	v3 =	vld [tilespmem:$0x70];
	_ =	sdelay $0x4  }
0xb0: {  	v63 =	vshrl.u32 v3, $0x3  }
0xb1: {  	v4 =	vmul.u32 $0x30, v63  }
0xb2: {  	v3 =	vand.u32 $0x7, v3  }
0xb3: {  	v3 =	vor.u32 v3, v4  }
0xb4: {  	v4 =	vperm.xlane v3, v0;
	_ =	sdelay $0x1  }
0xb5: {  	v4 =	vadd.s32 v1, v4;
	_ =	sdelay $0x3  }
0xb6: {  	v3 =	vperm.xlane v3, v2  }
0xb7: {  	[tilespmem:s25], [sflag:$0x1] =	stream.indirect_vreg.gather [hbm4b:s1+s3], $0x80, v4, vm0, $0xb8;
	[tilespmem:$0x18080] =	vst v63  }
0xb8: {  	v3 =	vadd.s32 v1, v3  }
0xb9: {  	[tilespmem:s26], [sflag:$0x1] =	stream.indirect_vreg.gather [hbm4b:s4+s3], $0x80, v4, vm0, $0xb8;
	[tilespmem:$0x18080] =	vst v63  }
0xba: {  	_ = 	snop  }
0xbb: {  	[tilespmem:s28], [sflag:$0x1] =	stream.indirect_vreg.gather [hbm4b:s5+s3], $0x80, v4, vm0, $0xb8;
	[tilespmem:$0x18080] =	vst v63  }
0xbc: {  	_ = 	snop  }
0xbd: {  	[tilespmem:s29], [sflag:$0x1] =	stream.indirect_vreg.gather [hbm4b:s1+s3], $0x80, v3, vm0, $0xb8;
	[tilespmem:$0x18080] =	vst v63  }
0xbe: {  	_ = 	snop  }
0xbf: {  	[tilespmem:s30], [sflag:$0x1] =	stream.indirect_vreg.gather [hbm4b:s4+s3], $0x80, v3, vm0, $0xb8;
	[tilespmem:$0x18080] =	vst v63  }
0xc0: {  	_ = 	snop  }
0xc1: {  	[tilespmem:s31], [sflag:$0x1] =	stream.indirect_vreg.gather [hbm4b:s5+s3], $0x80, v3, vm0, $0xb8;
	[tilespmem:$0x18080] =	vst v63  }
0xc2: {  	_ =	swait.ge [sflag:s2], $0x18000  }
0xc3: {  	p0 =	sne.s32 s6, $0x1;
	[sflag:s2] =	ssyncset.done $0x0  }
.Ltmp0:
0xc4: {  	s9 =	rddreg [dreg:$0x5];
	[sflag:s2] =	ssyncadd.s32 $0xFFFE8000;
	(pc) =	sbr.rel @p0 .LBB2_1-.Ltmp0, $4  }
0xc5: {  	[hbm4b:s9+s3] =	stream.linear.scatter [tilespmem:s8], [sflag:$0x2], $0x18000, $0x38;
	[tilespmem:$0x18080] =	vst v63  }
0xc6: {  	_ =	swait.ge [sflag:s7], $0x18000  }
0xc7: {  	[sflag:s7] =	ssyncset.done $0x0  }
0xc8: {  	s6 =	sadd.s32 $0xFFFFFFFF, s6;
	[sflag:s7] =	ssyncadd.s32 $0xFFFE8000  }
0xc9: {  	_ =	sfence.sel $0x180000  }
0xca: {  	[bflag:$0x0] =	sbarrier.arrive $0xFFFF  }
0xcb: {  	_ =	strace $0x90000047  }
0xcc: {  	s0 =	stileid.u32;
	[bflag:$0x2] =	sbarrier.arrive $0xFFFF  }
0xcd: {  	p0 =	sne.s32 s0, $0x0;
	s0 =	rddreg [dreg:$0x3]  }
0xce: {  	s0 =	sadd.s32 @!p0 $0x100000, s0  }
0xcf: {  	[sflag:s0] =	ssyncadd.tile.s32 @!p0 $0x1;
	_ =	shalt  }
.Lfunc_end2:
_tile_overlayer_lowered:
.L_overlay_start_2:
0xd0: {  	(tag) =	ssettag $0x2  }
0xd1: {  	s0 =	rddreg [dreg:$0x0];
	s2 =	stileid.u32  }
0xd2: {  	s1 =	rddreg [dreg:$0x1];
	p0 =	sne.s32 s2, $0x0  }
0xd3: {  	s3 =	rddreg [dreg:$0x2];
	[bflag:$0x3] =	sbarrier.arrive $0xFFFF;
	s2 =	simm.s32 @!p0 $0x1C02  }
0xd4: {  	[timem:s3], [sflag:s2] =	dma.local @!p0 [hbm:s0], s1  }
0xd5: {  	s0 =	simm.s32 @!p0 $0x2  }
0xd6: {  	_ =	swait.ge @!p0 [sflag:s0], s1  }
0xd7: {  	s1 =	ssub.s32 @!p0 $0x0, s1;
	[sflag:s0] =	ssyncset.done @!p0 $0x0  }
0xd8: {  	[sflag:s0] =	ssyncadd.s32 @!p0 s1  }
0xd9: {  	[bflag:$0x3] =	sbarrier.arrive $0xFFFF  }
0xda: {  	_ =	shalt  }

// kernel: kernel.9.cloned.1.call-start
scs
__scs_entry_jumppad:
0x0: {  	(pc) =	sbr.rel $0x88, $3  }
0x1: {  	(tag) =	ssettag $0x0;
	lr =	simm.s32 $0x1  }
0x2: {  	[smem:$0x3F9A] =	sst lr;
	_ =	strace $0xD0000000  }
0x3: {  	_ = 	snop  }
0x4: {  	_ = 	snop  }
0x5: {  	_ = 	snop  }
0x6: {  	_ = 	snop  }
0x7: {  	_ = 	snop  }
__scs_overlays_trampoline_lowered:
0x8: {  	[smem:$0x3FA9] =	sst s0  }
0x9: {  	[smem:$0x3FAA] =	sst s1  }
0xa: {  	[smem:$0x3FAB] =	sst s2  }
0xb: {  	[smem:$0x3FAC] =	sst s3  }
0xc: {  	[smem:$0x3FAD] =	sst s4  }
0xd: {  	[smem:$0x3FAE] =	sst s5  }
0xe: {  	[smem:$0x3FAF] =	sst s6  }
0xf: {  	[smem:$0x3FB0] =	sst s7  }
0x10: {  	[smem:$0x3FB1] =	sst s8  }
0x11: {  	[smem:$0x3FB2] =	sst s9;
	s0 =	simm.s32 @!p0 $0x0  }
0x12: {  	s1 =	sld [smem:$0x3F98];
	s0 =	simm.s32 @p0 $0x1  }
0x13: {  	[smem:$0x3FB3] =	sst s0;
	s0 =	simm.s32 @!p1 $0x0  }
0x14: {  	s2 =	sld [smem:$0x3F97];
	s0 =	simm.s32 @p1 $0x1  }
0x15: {  	[smem:$0x3FB4] =	sst s0;
	s0 =	simm.s32 @!p2 $0x0  }
0x16: {  	s3 =	sld [smem:$0x3FDB];
	s0 =	simm.s32 @p2 $0x1  }
0x17: {  	s4 =	simm.s32 $0x1BF5;
	[smem:$0x3FB6] =	sst s0  }
0x18: {  	s0 =	sld [smem:$0x3F99];
	_ =	swait.ge [sflag:s4], $0x0  }
0x19: {  	s7 =	sld [smem:$0x3F9A]  }
0x1a: {  	s8 =	sadd.s32 $0xFFFFE003, lr  }
0x1b: {  	s9 =	sadd.s32 $0xFFFFFEF7, lr;
	s5 =	simm.s32 $0xFFFFFFFF;
	p2 =	slt.u32 s8, $0xFFFFF086  }
0x1c: {  	p1 =	slt.u32 s9, $0xF7A;
	s5 =	simm.s32 @!p2 $0x0  }
0x1d: {  	s5 =	simm.s32 @p1 $0x1;
	p0 =	seq.s32 s7, s2  }
0x1e: {  	s7 =	smul.u32 @!p0 $0xF7A, s2;
	p2 =	seq.s32 @!p0 s5, $0x0  }
0x1f: {  	s9 =	smul.u32 $0xF7A, s1;
	s8 =	simm.s32 @!p0 $0x1BF5;
	p2 =	por !p2, p0  }
0x20: {  	[sflag:s8] =	ssyncset.s32 @!p0 $0xFFFFF086;
	s6 =	sadd.s32 @!p0 s3, s7;
	s7 =	simm.s32 @!p0 $0x108  }
0x21: {  	s3 =	sadd.s32 s3, s9;
	s6 =	sadd.s32 @!p0 $0x88, s6;
	s7 =	simm.s32 @p2 $0x1082  }
0x22: {  	[simem:s7], [sflag:s8] =	dma.local @!p0 [hbm:s6], $0xF7A  }
0x23: {  	s9 =	sor.u32 $0xD0000000, s2;
	s6 =	simm.s32 $0x108;
	_ =	swait.ge @!p0 [sflag:s8], $0x0  }
0x24: {  	s3 =	sadd.s32 $0x88, s3;
	s6 =	simm.s32 @!p1 $0x1082;
	[sflag:s4] =	ssyncset.s32 $0xFFFFF086  }
0x25: {  	[simem:s6], [sflag:s4] =	dma.local [hbm:s3], $0xF7A  }
0x26: {  	[smem:$0x3F9A] =	sst s1;
	(tag) =	ssettag s2;
	_ =	strace s9  }
0x27: {  	s1 =	sld [smem:$0x3FAA]  }
0x28: {  	s2 =	sld [smem:$0x3FAB]  }
0x29: {  	s4 =	sld [smem:$0x3FAD]  }
0x2a: {  	p0 =	seq.s32 s5, $0x0;
	s5 =	sld [smem:$0x3FAE]  }
0x2b: {  	s6 =	sld [smem:$0x3FAF]  }
0x2c: {  	s7 =	sld [smem:$0x3FB0]  }
0x2d: {  	s3 =	simm.s32 $0x108;
	s8 =	sld [smem:$0x3FB1]  }
0x2e: {  	s3 =	simm.s32 @!p0 $0x1082;
	s9 =	sld [smem:$0x3FB2]  }
0x2f: {  	lr =	sadd.s32 s0, s3;
	s0 =	sld [smem:$0x3FA9]  }
0x30: {  	s3 =	sld [smem:$0x3FAC]  }
0x31: {  	[smem:$0x3FB5] =	sst s10  }
0x32: {  	s10 =	sld [smem:$0x3FB3];
	_ =	sdelay $0x3  }
0x33: {  	p0 =	seq.s32 s10, $0x1;
	s10 =	sld [smem:$0x3FB5];
	_ =	sdelay $0x3  }
0x34: {  	[smem:$0x3FB5] =	sst s10  }
0x35: {  	s10 =	sld [smem:$0x3FB4];
	_ =	sdelay $0x3  }
0x36: {  	p1 =	seq.s32 s10, $0x1;
	s10 =	sld [smem:$0x3FB5];
	_ =	sdelay $0x3  }
0x37: {  	[smem:$0x3FB5] =	sst s10  }
0x38: {  	s10 =	sld [smem:$0x3FB6]  }
0x39: {  	_ = 	snop;
	(pc) =	sbr.ind lr, $3  }
0x3a: {  	_ = 	snop  }
0x3b: {  	_ = 	snop  }
0x3c: {  	p2 =	seq.s32 s10, $0x1;
	s10 =	sld [smem:$0x3FB5]  }
0x3d: {  	_ =	shalt  }
0x3e: {  	_ =	shalt  }
0x3f: {  	_ =	shalt  }
0x40: {  	_ =	shalt  }
0x41: {  	_ =	shalt  }
0x42: {  	_ =	shalt  }
0x43: {  	_ =	shalt  }
0x44: {  	_ =	shalt  }
0x45: {  	_ =	shalt  }
0x46: {  	_ =	shalt  }
0x47: {  	_ =	shalt  }
0x48: {  	_ =	shalt  }
0x49: {  	_ =	shalt  }
0x4a: {  	_ =	shalt  }
0x4b: {  	_ =	shalt  }
0x4c: {  	_ =	shalt  }
0x4d: {  	_ =	shalt  }
0x4e: {  	_ =	shalt  }
0x4f: {  	_ =	shalt  }
0x50: {  	_ =	shalt  }
0x51: {  	_ =	shalt  }
0x52: {  	_ =	shalt  }
0x53: {  	_ =	shalt  }
0x54: {  	_ =	shalt  }
0x55: {  	_ =	shalt  }
0x56: {  	_ =	shalt  }
0x57: {  	_ =	shalt  }
0x58: {  	_ =	shalt  }
0x59: {  	_ =	shalt  }
0x5a: {  	_ =	shalt  }
0x5b: {  	_ =	shalt  }
0x5c: {  	_ =	shalt  }
0x5d: {  	_ =	shalt  }
0x5e: {  	_ =	shalt  }
0x5f: {  	_ =	shalt  }
0x60: {  	_ =	shalt  }
0x61: {  	_ =	shalt  }
0x62: {  	_ =	shalt  }
0x63: {  	_ =	shalt  }
0x64: {  	_ =	shalt  }
0x65: {  	_ =	shalt  }
0x66: {  	_ =	shalt  }
0x67: {  	_ =	shalt  }
0x68: {  	_ =	shalt  }
0x69: {  	_ =	shalt  }
0x6a: {  	_ =	shalt  }
0x6b: {  	_ =	shalt  }
0x6c: {  	_ =	shalt  }
0x6d: {  	_ =	shalt  }
0x6e: {  	_ =	shalt  }
0x6f: {  	_ =	shalt  }
0x70: {  	_ =	shalt  }
0x71: {  	_ =	shalt  }
0x72: {  	_ =	shalt  }
0x73: {  	_ =	shalt  }
0x74: {  	_ =	shalt  }
0x75: {  	_ =	shalt  }
0x76: {  	_ =	shalt  }
0x77: {  	_ =	shalt  }
0x78: {  	_ =	shalt  }
0x79: {  	_ =	shalt  }
0x7a: {  	_ =	shalt  }
0x7b: {  	_ =	shalt  }
0x7c: {  	_ =	shalt  }
0x7d: {  	_ =	shalt  }
0x7e: {  	_ =	shalt  }
0x7f: {  	_ =	shalt  }
0x80: {  	_ =	shalt  }
0x81: {  	_ =	shalt  }
0x82: {  	_ =	shalt  }
0x83: {  	_ =	shalt  }
0x84: {  	_ =	shalt  }
0x85: {  	_ =	shalt  }
0x86: {  	_ =	shalt  }
0x87: {  	_ =	shalt  }
.Lfunc_end0:
.L_simem_size_0:
called_computation.1_lowered:
.L_overlay_start_0:
0x88: {  	s2 =	sld [smem:$0x3FD9]  }
0x89: {  	s3 =	sld [smem:$0x3FFE];
	_ =	sdelay $0x1  }
0x8a: {  	s1 =	srdreg.scid  }
0x8b: {  	s0 =	sand.u32 $0x1, s1  }
0x8c: {  	s14 =	sshll.u32 s0, $0xA;
	s2 =	sadd.s32 s3, s2  }
0x8d: {  	s2 =	sadd.s32 s2, s14  }
0x8e: {  	[smem:$0x3FC1] =	sst s2  }
0x8f: {  	_ = 	snop  }
0x90: {  	s2 =	sld [smem:$0x3FD0];
	_ =	sdelay $0x2  }
0x91: {  	s15 =	simm.s32 $0xA;
	s4 =	simm.s32 $0x10  }
0x92: {  	[smem:s4], [sflag:s15] =	dma.local [hbm:s2], $0x1  }
0x93: {  	_ =	swait.eq [sflag:s15], $0x1  }
0x94: {  	[sflag:s15] =	ssyncset.done $0x0  }
0x95: {  	[sflag:s15] =	ssyncadd.s32 $0xFFFFFFFF  }
0x96: {  	s16 =	sld [smem:$0x10];
	(tm) =	ssettm $0x1  }
0x97: {  	s17 =	sld [smem:$0x3FFB];
	_ =	sdelay $0x3  }
0x98: {  	_ =	strace s17  }
0x99: {  	s3 =	sld [smem:$0x3FFC];
	_ =	sdelay $0x3  }
0x9a: {  	_ =	strace s3  }
0x9b: {  	s3 =	sld [smem:$0x3FFD];
	_ =	sdelay $0x3  }
0x9c: {  	_ =	strace s3  }
0x9d: {  	_ =	strace $0x8FFFFFFF  }
0x9e: {  	s18 =	sld [smem:$0x3FDB];
	_ =	sdelay $0x1  }
0x9f: {  	s19 =	simm.s32 $_scs_section_size  }
0xa0: {  	s5 =	simm.s32 $_size__tile_overlayer_lowered;
	s6 =	simm.s32 $_tile_overlayer_lowered  }
0xa1: {  	s22 =	simm.s32 $0x1BFF;
	s21 =	sshll.u32 s6, $0x1;
	s3 =	sadd.s32 s19, s18  }
0xa2: {  	s7 =	simm.s32 $0x0;
	s20 =	sshll.u32 s5, $0x1;
	s5 =	sadd.s32 s21, s3  }
0xa3: {  	[timem:s7], [sflag:s22] =	dma.local [hbm:s5], s20  }
0xa4: {  	_ =	swait.ge [sflag:s22], s20  }
0xa5: {  	s4 =	ssub.s32 $0x0, s20;
	[sflag:s22] =	ssyncset.done $0x0  }
0xa6: {  	[sflag:s22] =	ssyncadd.s32 s4;
	_ =	sdelay $0x1  }
0xa7: {  	s23 =	simm.s32 $0x1B8B  }
0xa8: {  	_ =	swait.ge [sflag:s23], $0x1  }
0xa9: {  	[sflag:s23] =	ssyncset.done $0x0  }
0xaa: {  	s25 =	simm.s32 $0x1B8E;
	s24 =	sld [smem:$0x3FFE];
	[sflag:s23] =	ssyncadd.s32 $0xFFFFFFFF  }
0xab: {  	s26 =	simm.s32 $execute0_lowered;
	[smem:$0x3FD2] =	sst s25  }
0xac: {  	s5 =	sshll.u32 s26, $0x1;
	_ =	strace $0x80000049;
	[dreg:$0x1] =	wrdreg $0xFFFFFFFF  }
0xad: {  	s28 =	simm.s32 $_size_execute0_lowered;
	s3 =	sadd.s32 s3, s5;
	[dreg:$0x0] =	wrdreg $0x0  }
0xae: {  	s5 =	sshll.u32 s28, $0x1;
	[dreg:$0x2] =	wrdreg s3  }
0xaf: {  	[dreg:$0x3] =	wrdreg s5  }
0xb0: {  	[dreg:$0x4] =	wrdreg $0xC0  }
0xb1: {  	_ =	task [dreg:s7], $0x5FFFF  }
0xb2: {  	[dreg:$0x1] =	wrdreg $0xFFFFFFFF  }
0xb3: {  	[dreg:$0x0] =	wrdreg $0x60  }
0xb4: {  	[dreg:$0x2] =	wrdreg s24  }
0xb5: {  	[dreg:$0x3] =	wrdreg s16  }
0xb6: {  	[dreg:$0x4] =	wrdreg $0x9  }
0xb7: {  	_ =	task.clear_ibuf [dreg:s7], $0x5FFFF;
	_ =	strace $0x90000049  }
0xb8: {  	s29 =	simm.s32 $0x9;
	_ =	strace $0x8000004B  }
0xb9: {  	_ =	swait.ge [sflag:s29], $0x1  }
0xba: {  	[sflag:s29] =	ssyncadd.s32 $0xFFFFFFFF  }
0xbb: {  	_ =	strace $0x9000004B  }
0xbc: {  	_ =	sfence  }
0xbd: {  	s30 =	sld [smem:$0x0];
	_ =	sdelay $0x2  }
0xbe: {  	s31 =	sshll.u32 s1, $0xD;
	s1 =	sshrl.u32 s1, $0x2  }
0xbf: {  	s3 =	sand.u32 $0x4000, s31;
	s1 =	sadd.s32 s1, s30  }
0xc0: {  	s0 =	sor.u32 s3, s0;
	s1 =	sshll.u32 s1, $0x11  }
0xc1: {  	s0 =	sor.u32 s1, s0  }
0xc2: {  	s0 =	sadd.s32 $0x8F2B, s0  }
0xc3: {  	[sflag:s0] =	ssyncadd.remote.s32 $0x1  }
0xc4: {  	_ =	sfence.sel $0xFFFF  }
0xc5: {  	[dreg:$0x0] =	wrdreg $0xFFFFFFFF;
	(pc) =	sbr.abs _section_cstart, $3  }
0xc6: {  	[dreg:$0x1] =	wrdreg $0xFFFFFFFF  }
0xc7: {  	_ =	task.clear_ibuf [dreg:s7], $0x2FFFF;
	_ =	strace $0x9FFFFFFF  }
0xc8: {  	(tm) =	ssettm $0x7FFFFFFF  }
0xc9: {  	_ =	shalt  }
tec
execute0_lowered:
.L_overlay_start_1:
0x0: {  	(tag) =	ssettag $0x1  }
0x1: {  	s0 =	rddreg [dreg:$0x0]  }
0x2: {  	s5 =	rddreg [dreg:$0x1];
	s3 =	srdreg.scid  }
0x3: {  	s2 =	simm.s32 $0x0;
	s1 =	stileid.u32;
	s26 =	simm.s32 $0x880  }
0x4: {  	s10 =	simm.s32 $0x1880;
	s11 =	simm.s32 $0x2080;
	s12 =	simm.s32 $0x2880  }
0x5: {  	s13 =	simm.s32 $0x3080;
	s14 =	simm.s32 $0x3880;
	s15 =	simm.s32 $0x4080  }
0x6: {  	s16 =	simm.s32 $0x4880;
	s17 =	simm.s32 $0x5080;
	s18 =	simm.s32 $0x5880  }
0x7: {  	s19 =	simm.s32 $0x6080;
	s20 =	simm.s32 $0x6880;
	s21 =	simm.s32 $0x7080  }
0x8: {  	s22 =	simm.s32 $0x7880;
	s28 =	simm.s32 $0xA080;
	s29 =	simm.s32 $0xA880  }
0x9: {  	s30 =	simm.s32 $0xB080;
	s31 =	simm.s32 $0xB880;
	s3 =	sand.u32 $0x1, s3  }
0xa: {  	[smem:$0x7FF] =	sst s2;
	s4 =	sshll.u32 s1, $0x4;
	s6 =	sshll.u32 s3, $0x3  }
0xb: {  	_ =	strace $0x8000004A;
	s23 =	ssub.s32 $0x2, s3;
	s3 =	sadd.s32 $0x1600, s0  }
0xc: {  	[dreg:$0x5] =	wrdreg s26;
	s26 =	simm.s32 $0x9880;
	s4 =	sor.u32 s6, s4  }
0xd: {  	s8 =	sshrl.u32 s23, $0x1;
	s7 =	sadd.s32 s4, s0;
	s9 =	smul.u32 $0x300, s4  }
0xe: {  	s6 =	ssub.s32 s23, s8;
	s4 =	sadd.s32 $0x1700, s0;
	s8 =	simm.s32 $0x80  }
0xf: {  	s23 =	simm.s32 $0x8080;
	s24 =	sadd.s32 $0x1400, s7;
	s6 =	smax.u32 s6, $0x1  }
0x10: {  	v2 =	vlaneseq.u32;
	s7 =	simm.s32 $0x2;
	[dreg:$0x3] =	wrdreg s24;
	s25 =	sadd.s32 s5, s9  }
0x11: {  	vm0 =	vmmov $0xffff;
	v1 =	vshrl.u32 v2, $0x3;
	s5 =	sadd.s32 $0x1800, s0;
	s9 =	simm.s32 $0x1080;
	s24 =	simm.s32 $0x8880  }
0x12: {  	v0 =	vand.u32 $0x7, v2;
	v2 =	vor.u32 $0x8, v2;
	v1 =	vmul.u32 $0x8, v1;
	s0 =	simm.s32 $0x1;
	[dreg:$0x4] =	wrdreg s25;
	s25 =	simm.s32 $0x9080  }
.LBB2_1:
0x13: {  	s1 =	rddreg [dreg:$0x3]  }
0x14: {  	[tilespmem:s2], [sflag:$0x2] =	stream.linear.gather [hbm4b:s1+s2], $0x40, $0x38;
	[tilespmem:$0xC080] =	vst v63  }
0x15: {  	_ =	swait.ge [sflag:s7], $0x40  }
0x16: {  	[sflag:s7] =	ssyncset.done $0x0  }
0x17: {  	[sflag:s7] =	ssyncadd.s32 $0xFFFFFFC0  }
0x18: {  	v3 =	vld [tilespmem:$0x0];
	_ =	sdelay $0x4  }
0x19: {  	v4 =	vshrl.u32 v3, $0x3  }
0x1a: {  	v4 =	vmul.u32 $0x30, v4  }
0x1b: {  	v3 =	vand.u32 $0x7, v3  }
0x1c: {  	v3 =	vor.u32 v3, v4  }
0x1d: {  	v4 =	vperm.xlane v3, v0;
	_ =	sdelay $0x1  }
0x1e: {  	v4 =	vadd.s32 v1, v4;
	_ =	sdelay $0x3  }
0x1f: {  	v3 =	vperm.xlane v3, v2  }
0x20: {  	[tilespmem:s8], [sflag:$0x1] =	stream.indirect_vreg.gather [hbm4b:s3+s2], $0x80, v4, vm0, $0xb8;
	[tilespmem:$0xC080] =	vst v63  }
0x21: {  	s1 =	rddreg [dreg:$0x5];
	v3 =	vadd.s32 v1, v3  }
0x22: {  	[tilespmem:s1], [sflag:$0x1] =	stream.indirect_vreg.gather [hbm4b:s4+s2], $0x80, v4, vm0, $0xb8;
	[tilespmem:$0xC080] =	vst v63  }
0x23: {  	_ = 	snop  }
0x24: {  	[tilespmem:s9], [sflag:$0x1] =	stream.indirect_vreg.gather [hbm4b:s5+s2], $0x80, v4, vm0, $0xb8;
	[tilespmem:$0xC080] =	vst v63  }
0x25: {  	_ = 	snop  }
0x26: {  	[tilespmem:s10], [sflag:$0x1] =	stream.indirect_vreg.gather [hbm4b:s3+s2], $0x80, v3, vm0, $0xb8;
	[tilespmem:$0xC080] =	vst v63  }
0x27: {  	_ = 	snop  }
0x28: {  	[tilespmem:s11], [sflag:$0x1] =	stream.indirect_vreg.gather [hbm4b:s4+s2], $0x80, v3, vm0, $0xb8;
	[tilespmem:$0xC080] =	vst v63  }
0x29: {  	_ = 	snop  }
0x2a: {  	[tilespmem:s12], [sflag:$0x1] =	stream.indirect_vreg.gather [hbm4b:s5+s2], $0x80, v3, vm0, $0xb8;
	[tilespmem:$0xC080] =	vst v63  }
0x2b: {  	v3 =	vld [tilespmem:$0x10];
	_ =	sdelay $0x4  }
0x2c: {  	v61 =	vshrl.u32 v3, $0x3  }
0x2d: {  	v4 =	vmul.u32 $0x30, v61  }
0x2e: {  	v3 =	vand.u32 $0x7, v3  }
0x2f: {  	v3 =	vor.u32 v3, v4  }
0x30: {  	v4 =	vperm.xlane v3, v0;
	_ =	sdelay $0x1  }
0x31: {  	v4 =	vadd.s32 v1, v4;
	_ =	sdelay $0x3  }
0x32: {  	v3 =	vperm.xlane v3, v2  }
0x33: {  	[tilespmem:s13], [sflag:$0x1] =	stream.indirect_vreg.gather [hbm4b:s3+s2], $0x80, v4, vm0, $0xb8;
	[tilespmem:$0xC080] =	vst v63  }
0x34: {  	v3 =	vadd.s32 v1, v3  }
0x35: {  	[tilespmem:s14], [sflag:$0x1] =	stream.indirect_vreg.gather [hbm4b:s4+s2], $0x80, v4, vm0, $0xb8;
	[tilespmem:$0xC080] =	vst v63  }
0x36: {  	_ = 	snop  }
0x37: {  	[tilespmem:s15], [sflag:$0x1] =	stream.indirect_vreg.gather [hbm4b:s5+s2], $0x80, v4, vm0, $0xb8;
	[tilespmem:$0xC080] =	vst v63  }
0x38: {  	_ = 	snop  }
0x39: {  	[tilespmem:s16], [sflag:$0x1] =	stream.indirect_vreg.gather [hbm4b:s3+s2], $0x80, v3, vm0, $0xb8;
	[tilespmem:$0xC080] =	vst v63  }
0x3a: {  	_ = 	snop  }
0x3b: {  	[tilespmem:s17], [sflag:$0x1] =	stream.indirect_vreg.gather [hbm4b:s4+s2], $0x80, v3, vm0, $0xb8;
	[tilespmem:$0xC080] =	vst v63  }
0x3c: {  	_ = 	snop  }
0x3d: {  	[tilespmem:s18], [sflag:$0x1] =	stream.indirect_vreg.gather [hbm4b:s5+s2], $0x80, v3, vm0, $0xb8;
	[tilespmem:$0xC080] =	vst v63  }
0x3e: {  	v3 =	vld [tilespmem:$0x20];
	_ =	sdelay $0x4  }
0x3f: {  	v62 =	vshrl.u32 v3, $0x3  }
0x40: {  	v4 =	vmul.u32 $0x30, v62  }
0x41: {  	v3 =	vand.u32 $0x7, v3  }
0x42: {  	v3 =	vor.u32 v3, v4  }
0x43: {  	v4 =	vperm.xlane v3, v0;
	_ =	sdelay $0x1  }
0x44: {  	v4 =	vadd.s32 v1, v4;
	_ =	sdelay $0x3  }
0x45: {  	v3 =	vperm.xlane v3, v2  }
0x46: {  	[tilespmem:s19], [sflag:$0x1] =	stream.indirect_vreg.gather [hbm4b:s3+s2], $0x80, v4, vm0, $0xb8;
	[tilespmem:$0xC080] =	vst v63  }
0x47: {  	v3 =	vadd.s32 v1, v3  }
0x48: {  	[tilespmem:s20], [sflag:$0x1] =	stream.indirect_vreg.gather [hbm4b:s4+s2], $0x80, v4, vm0, $0xb8;
	[tilespmem:$0xC080] =	vst v63  }
0x49: {  	_ = 	snop  }
0x4a: {  	[tilespmem:s21], [sflag:$0x1] =	stream.indirect_vreg.gather [hbm4b:s5+s2], $0x80, v4, vm0, $0xb8;
	[tilespmem:$0xC080] =	vst v63  }
0x4b: {  	_ = 	snop  }
0x4c: {  	[tilespmem:s22], [sflag:$0x1] =	stream.indirect_vreg.gather [hbm4b:s3+s2], $0x80, v3, vm0, $0xb8;
	[tilespmem:$0xC080] =	vst v63  }
0x4d: {  	_ = 	snop  }
0x4e: {  	[tilespmem:s23], [sflag:$0x1] =	stream.indirect_vreg.gather [hbm4b:s4+s2], $0x80, v3, vm0, $0xb8;
	[tilespmem:$0xC080] =	vst v63  }
0x4f: {  	_ = 	snop  }
0x50: {  	[tilespmem:s24], [sflag:$0x1] =	stream.indirect_vreg.gather [hbm4b:s5+s2], $0x80, v3, vm0, $0xb8;
	[tilespmem:$0xC080] =	vst v63  }
0x51: {  	v3 =	vld [tilespmem:$0x30];
	_ =	sdelay $0x4  }
0x52: {  	v63 =	vshrl.u32 v3, $0x3  }
0x53: {  	v4 =	vmul.u32 $0x30, v63  }
0x54: {  	v3 =	vand.u32 $0x7, v3  }
0x55: {  	v3 =	vor.u32 v3, v4  }
0x56: {  	v4 =	vperm.xlane v3, v0;
	_ =	sdelay $0x1  }
0x57: {  	v4 =	vadd.s32 v1, v4;
	_ =	sdelay $0x3  }
0x58: {  	v3 =	vperm.xlane v3, v2  }
0x59: {  	[tilespmem:s25], [sflag:$0x1] =	stream.indirect_vreg.gather [hbm4b:s3+s2], $0x80, v4, vm0, $0xb8;
	[tilespmem:$0xC080] =	vst v63  }
0x5a: {  	v3 =	vadd.s32 v1, v3  }
0x5b: {  	[tilespmem:s26], [sflag:$0x1] =	stream.indirect_vreg.gather [hbm4b:s4+s2], $0x80, v4, vm0, $0xb8;
	[tilespmem:$0xC080] =	vst v63  }
0x5c: {  	_ = 	snop  }
0x5d: {  	[tilespmem:s28], [sflag:$0x1] =	stream.indirect_vreg.gather [hbm4b:s5+s2], $0x80, v4, vm0, $0xb8;
	[tilespmem:$0xC080] =	vst v63  }
0x5e: {  	_ = 	snop  }
0x5f: {  	[tilespmem:s29], [sflag:$0x1] =	stream.indirect_vreg.gather [hbm4b:s3+s2], $0x80, v3, vm0, $0xb8;
	[tilespmem:$0xC080] =	vst v63  }
0x60: {  	_ = 	snop  }
0x61: {  	[tilespmem:s30], [sflag:$0x1] =	stream.indirect_vreg.gather [hbm4b:s4+s2], $0x80, v3, vm0, $0xb8;
	[tilespmem:$0xC080] =	vst v63  }
0x62: {  	_ = 	snop  }
0x63: {  	[tilespmem:s31], [sflag:$0x1] =	stream.indirect_vreg.gather [hbm4b:s5+s2], $0x80, v3, vm0, $0xb8;
	[tilespmem:$0xC080] =	vst v63  }
0x64: {  	_ =	swait.ge [sflag:s0], $0xC000  }
0x65: {  	p0 =	sne.s32 s6, $0x1;
	[sflag:s0] =	ssyncset.done $0x0  }
.Ltmp0:
0x66: {  	s1 =	rddreg [dreg:$0x4];
	[sflag:s0] =	ssyncadd.s32 $0xFFFF4000;
	(pc) =	sbr.rel @p0 .LBB2_1-.Ltmp0, $4  }
0x67: {  	[hbm4b:s1+s2] =	stream.linear.scatter [tilespmem:s8], [sflag:$0x2], $0xC000, $0x38;
	[tilespmem:$0xC080] =	vst v63  }
0x68: {  	_ =	swait.ge [sflag:s7], $0xC000  }
0x69: {  	[sflag:s7] =	ssyncset.done $0x0  }
0x6a: {  	s6 =	sadd.s32 $0xFFFFFFFF, s6;
	[sflag:s7] =	ssyncadd.s32 $0xFFFF4000  }
0x6b: {  	_ =	sfence.sel $0x180000  }
0x6c: {  	[bflag:$0x0] =	sbarrier.arrive $0xFFFF  }
0x6d: {  	_ =	strace $0x9000004A  }
0x6e: {  	s0 =	stileid.u32;
	[bflag:$0x2] =	sbarrier.arrive $0xFFFF  }
0x6f: {  	p0 =	sne.s32 s0, $0x0;
	s0 =	rddreg [dreg:$0x2]  }
0x70: {  	s0 =	sadd.s32 @!p0 $0x100000, s0  }
0x71: {  	[sflag:s0] =	ssyncadd.tile.s32 @!p0 $0x1;
	_ =	shalt  }
.Lfunc_end2:
_tile_overlayer_lowered:
.L_overlay_start_2:
0x72: {  	(tag) =	ssettag $0x2  }
0x73: {  	s0 =	rddreg [dreg:$0x0];
	s2 =	stileid.u32  }
0x74: {  	s1 =	rddreg [dreg:$0x1];
	p0 =	sne.s32 s2, $0x0  }
0x75: {  	s3 =	rddreg [dreg:$0x2];
	[bflag:$0x3] =	sbarrier.arrive $0xFFFF;
	s2 =	simm.s32 @!p0 $0x1C02  }
0x76: {  	[timem:s3], [sflag:s2] =	dma.local @!p0 [hbm:s0], s1  }
0x77: {  	s0 =	simm.s32 @!p0 $0x2  }
0x78: {  	_ =	swait.ge @!p0 [sflag:s0], s1  }
0x79: {  	s1 =	ssub.s32 @!p0 $0x0, s1;
	[sflag:s0] =	ssyncset.done @!p0 $0x0  }
0x7a: {  	[sflag:s0] =	ssyncadd.s32 @!p0 s1  }
0x7b: {  	[bflag:$0x3] =	sbarrier.arrive $0xFFFF  }
0x7c: {  	_ =	shalt  }

</sc_bundles>
